<compile_context>
chip_gen: v7x
topology: tpu7x:2x2x1
jax: 0.10.2.dev20260603
libtpu: 0.0.44.dev20260713+nightly
codegen_flags: <defaults>
</compile_context>

<pallas_src>
import functools

import jax
import jax.numpy as jnp
from jax import lax
from jax.experimental import pallas as pl
from jax.experimental.pallas import tpu as pltpu
from jax.experimental.pallas import tpu_sc as plsc

CAP = 100
LANES = 128
SEG = 256
CHUNK = 16
NC, NS = 2, 16


def _router_body(x_ref, wg_ref, bg_ref, p_ref, e_ref, hist_ref, xb_ref):
    xb = x_ref[...]
    logits = jnp.dot(xb, wg_ref[...], preferred_element_type=jnp.float32)
    logits = logits + bg_ref[...]
    m = jnp.max(logits, axis=1, keepdims=True)
    p_ref[...] = 1.0 / jnp.sum(jnp.exp(logits - m), axis=1, keepdims=True)
    col = lax.broadcasted_iota(jnp.int32, logits.shape, 1)
    e = jnp.min(jnp.where(logits == m, col, LANES), axis=1, keepdims=True)
    e_ref[...] = e
    rows = xb.shape[0]
    nsub = rows // SEG
    seg_of = lax.broadcasted_iota(jnp.int32, (nsub, rows), 1) // SEG
    sel = (seg_of == lax.broadcasted_iota(jnp.int32, (nsub, rows), 0)).astype(jnp.float32)
    onehot = (col == e).astype(jnp.float32)
    hist = jnp.dot(sel, onehot, preferred_element_type=jnp.float32)
    hist_ref[...] = hist.astype(jnp.int32).reshape(nsub, 1, LANES)
    xb_ref[...] = xb.astype(jnp.bfloat16)


def _router(xf, wgp, bgp):
    t, h = xf.shape
    rb = 1024
    nsub = rb // SEG
    return pl.pallas_call(
        _router_body,
        grid=(t // rb,),
        in_specs=[
            pl.BlockSpec((rb, h), lambda i: (i, 0)),
            pl.BlockSpec((h, LANES), lambda i: (0, 0)),
            pl.BlockSpec((1, LANES), lambda i: (0, 0)),
        ],
        out_specs=[
            pl.BlockSpec((rb, 1), lambda i: (i, 0)),
            pl.BlockSpec((rb, 1), lambda i: (i, 0)),
            pl.BlockSpec((nsub, 1, LANES), lambda i: (i, 0, 0)),
            pl.BlockSpec((rb, h), lambda i: (i, 0)),
        ],
        out_shape=[
            jax.ShapeDtypeStruct((t, 1), jnp.float32),
            jax.ShapeDtypeStruct((t, 1), jnp.int32),
            jax.ShapeDtypeStruct((t // SEG, 1, LANES), jnp.int32),
            jax.ShapeDtypeStruct((t, h), jnp.bfloat16),
        ],
    )(xf, wgp, bgp)


def _gate_body(n_experts, e_hbm, p_hbm, hist_hbm, g_hbm, e_v, p_v, hist_v, g_v):
    wid = lax.axis_index("s") * NC + lax.axis_index("c")
    base = wid * SEG
    pltpu.sync_copy(e_hbm.at[pl.ds(base, SEG)], e_v)
    pltpu.sync_copy(p_hbm.at[pl.ds(base, SEG)], p_v)
    pltpu.sync_copy(hist_hbm, hist_v)

    def off_body(w, acc):
        return acc + hist_v[pl.ds(w * LANES, CHUNK)]

    offs_vec = lax.fori_loop(0, wid, off_body, jnp.zeros((CHUNK,), jnp.int32))
    offs = tuple(offs_vec[ex] for ex in range(n_experts))

    def chunk_body(c, counts):
        e16 = e_v[pl.ds(c * CHUNK, CHUNK)]
        p16 = p_v[pl.ds(c * CHUNK, CHUNK)]
        g16 = jnp.zeros((CHUNK,), jnp.float32)
        new_counts = []
        for ex in range(n_experts):
            msk = e16 == ex
            cs = plsc.cumsum(msk.astype(jnp.int32))
            pos = counts[ex] + cs - 1
            keepm = jnp.logical_and(msk, pos < CAP)
            g16 = jnp.where(keepm, p16, g16)
            new_counts.append(counts[ex] + jnp.sum(msk.astype(jnp.int32)))
        g_v[pl.ds(c * CHUNK, CHUNK)] = g16
        return tuple(new_counts)

    lax.fori_loop(0, SEG // CHUNK, chunk_body, offs)
    pltpu.sync_copy(g_v, g_hbm.at[pl.ds(base, SEG)])


def _gate(e_flat, p_flat, hist_flat, n_experts):
    t = e_flat.shape[0]
    mesh = plsc.VectorSubcoreMesh(core_axis_name="c", subcore_axis_name="s")
    return pl.kernel(
        functools.partial(_gate_body, n_experts),
        out_type=jax.ShapeDtypeStruct((t,), jnp.float32),
        mesh=mesh,
        scratch_types=[
            pltpu.VMEM((SEG,), jnp.int32),
            pltpu.VMEM((SEG,), jnp.float32),
            pltpu.VMEM((hist_flat.shape[0],), jnp.int32),
            pltpu.VMEM((SEG,), jnp.float32),
        ],
        compiler_params=pltpu.CompilerParams(needs_layout_passes=False),
    )(e_flat, p_flat, hist_flat)


def _combine_body(xb_ref, we_ref, be_ref, g_ref, o_ref):
    g = g_ref[...]
    anyk = jnp.max(g, axis=(0, 1))

    @pl.when(anyk > 0.0)
    def _():
        acc = jnp.dot(xb_ref[...], we_ref[...], preferred_element_type=jnp.float32)
        o_ref[...] = (acc + be_ref[...]) * g

    @pl.when(anyk <= 0.0)
    def _():
        o_ref[...] = jnp.zeros_like(o_ref)


def _combine(xb16, web, be2, g2):
    t, h = xb16.shape
    rb = 512
    return pl.pallas_call(
        _combine_body,
        grid=(t // rb,),
        in_specs=[
            pl.BlockSpec((rb, h), lambda i: (i, 0)),
            pl.BlockSpec((h, h), lambda i: (0, 0)),
            pl.BlockSpec((1, h), lambda i: (0, 0)),
            pl.BlockSpec((rb, 1), lambda i: (i, 0)),
        ],
        out_specs=pl.BlockSpec((rb, h), lambda i: (i, 0)),
        out_shape=jax.ShapeDtypeStruct((t, h), jnp.float32),
    )(xb16, web, be2, g2)


def kernel(x, Wg, bg, We, be):
    b, s, h = x.shape
    n_experts = Wg.shape[1]
    t = b * s
    xf = x.reshape(t, h)
    wgp = jnp.zeros((h, LANES), jnp.float32).at[:, :n_experts].set(Wg)
    bgp = jnp.full((1, LANES), -1e30, jnp.float32).at[0, :n_experts].set(bg)
    p, e, hist, xb16 = _router(xf, wgp, bgp)
    g = _gate(e.reshape(t), p.reshape(t), hist.reshape(-1), n_experts)
    out = _combine(xb16, We.astype(jnp.bfloat16), be.reshape(1, h), g.reshape(t, 1))
    return out.reshape(b, s, h)

# --- scband reference (transcript-rebuilt; emitter-appended) ---
"""Pipeline reference for scband-dist-sparse-moe-28638841930253 (READ-ONLY COPY).

The authoritative reference and input builder live on the scoring server;
editing this copy changes nothing except your own understanding.
"""

import jax, jax.numpy as jnp
import numpy as np

B, S, H = 2, 4096, 1024
E = 8
CAP = 100  # hardcoded in original forward


def setup_inputs(seed: int = 0) -> dict:
    key = jax.random.key(seed)
    k1, k2, k3 = jax.random.split(key, 3)
    x = jax.random.normal(k1, (B, S, H), dtype=jnp.float32)
    # MoeRouter gate: Linear(hidden_dim, expert_num)
    Wg = jax.random.normal(k2, (H, E), dtype=jnp.float32) * 0.02
    bg = jnp.zeros((E,), dtype=jnp.float32)
    # BasicExpert: Linear(hidden_dim, hidden_dim) -- single local expert (ModuleList of 1)
    We = jax.random.normal(k3, (H, H), dtype=jnp.float32) * 0.02
    be = jnp.zeros((H,), dtype=jnp.float32)
    return {"x": x, "Wg": Wg, "bg": bg, "We": We, "be": be}


def reference(x, Wg, bg, We, be):
    batch_size, seq_len, hidden_dim = x.shape
    capacity = CAP
    hidden_states = x.reshape(-1, hidden_dim)  # [T, H]
    # router gate logits
    router_logits = hidden_states @ Wg + bg  # [T, E]
    normalized_logits = jax.nn.softmax(router_logits, axis=1)
    index_of_best_expert = jnp.argmax(normalized_logits, axis=1)  # [T]
    classified_expert_mask = jax.nn.one_hot(index_of_best_expert, E, dtype=jnp.int32)  # [T, E]
    normalized_logits_sum = jnp.sum(normalized_logits * classified_expert_mask, axis=1)  # [T]
    # fused cumsum - 1 (position of each token within its expert's queue)
    locations = jnp.cumsum(classified_expert_mask, axis=0) - 1  # [T, E]
    classified_expert_mask = classified_expert_mask * (locations < capacity).astype(jnp.int32)
    locations_sum = jnp.sum(locations * classified_expert_mask, axis=1)  # [T]
    new_normalized_logits = normalized_logits_sum[:, None] * classified_expert_mask.astype(normalized_logits_sum.dtype)  # [T, E]
    classified_location = jax.nn.one_hot(locations_sum, capacity, dtype=new_normalized_logits.dtype)  # [T, CAP]
    # bmm of [T, E, 1] x [T, 1, CAP] -> [T, E, CAP]
    combine_weight = new_normalized_logits[:, :, None] * classified_location[:, None, :]
    dispatch_mask = (combine_weight != 0).astype(hidden_states.dtype)
    dispatch_mask = jnp.transpose(dispatch_mask, (1, 2, 0))  # [E, CAP, T]
    dispatched_input = dispatch_mask.reshape(E * capacity, batch_size * seq_len) @ hidden_states  # [E*CAP, H]
    # all_to_all with world_size 1 is identity
    dispatched_input = dispatched_input.reshape(1, 1, -1, hidden_dim)
    # single local expert (BasicExpert = Linear)
    expert_output = dispatched_input @ We + be  # [1, 1, E*CAP, H]
    expert_output = expert_output.reshape(-1, hidden_dim)  # [E*CAP, H]
    combined_output = combine_weight.reshape(batch_size * seq_len, E * capacity) @ expert_output  # [T, H]
    combined_output = combined_output.reshape(batch_size, seq_len, hidden_dim)
    return combined_output

if __name__ == "__main__":
    import jax
    _d = setup_inputs()
    print(jax.jit(kernel)(*tuple(_d.values())))

</pallas_src>

<mosaic_0001>
#map = affine_map<(d0, d1) -> (0)>
module attributes {stable_mosaic.version = 14 : i64} {
  func.func @_gate_body(%arg0: i32, %arg1: i32, %arg2: memref<8192xi32, #tpu.memory_space<hbm>>, %arg3: memref<8192xf32, #tpu.memory_space<hbm>>, %arg4: memref<4096xi32, #tpu.memory_space<hbm>>, %arg5: memref<8192xf32, #tpu.memory_space<hbm>>, %arg6: memref<256xi32, #tpu.memory_space<vmem>>, %arg7: memref<256xf32, #tpu.memory_space<vmem>>, %arg8: memref<4096xi32, #tpu.memory_space<vmem>>, %arg9: memref<256xf32, #tpu.memory_space<vmem>>) attributes {dimension_semantics = [#tpu.dimension_semantics<core_parallel>, #tpu.dimension_semantics<subcore_parallel>], iteration_bounds = array<i64: 2, 16>, scalar_prefetch = 0 : i64, scratch_operands = 4 : i64, tpu.core_type = #tpu.core_type<sc_vector_subcore>, window_params = [{transform_indices = #map}, {transform_indices = #map}, {transform_indices = #map}, {transform_indices = #map}]} {
    %mul3A = arith.constant 2 : i32
    %mul3A_0 = arith.muli %arg1, %mul3A : i32
    %add3A = arith.addi %mul3A_0, %arg0 : i32
    %mul3A_1 = arith.constant 256 : i32
    %mul3A_2 = arith.muli %add3A, %mul3A_1 : i32
    "tpu.region"() ({
      %run_scoped3A = tpu.sem_alloc : memref<!tpu.dma_semaphore, #tpu.memory_space<semaphore_mem>>
      %dma_start3A = tpu.memref_slice %arg2[%mul3A_2] : memref<8192xi32, #tpu.memory_space<hbm>> -> memref<256xi32, #tpu.memory_space<hbm>>
      %dma_start3A_33 = tpu.memref_slice %arg2[%mul3A_2] : memref<8192xi32, #tpu.memory_space<hbm>> -> memref<256xi32, #tpu.memory_space<hbm>>
      tpu.enqueue_dma source(%dma_start3A_33 : memref<256xi32, #tpu.memory_space<hbm>>) target(%arg6 : memref<256xi32, #tpu.memory_space<vmem>>) target_semaphore(%run_scoped3A : memref<!tpu.dma_semaphore, #tpu.memory_space<semaphore_mem>>)
      %dma_wait3A = tpu.memref_slice %arg2[%mul3A_2] : memref<8192xi32, #tpu.memory_space<hbm>> -> memref<256xi32, #tpu.memory_space<hbm>>
      %dma_wait3A_34 = tpu.memref_slice %arg2[%mul3A_2] : memref<8192xi32, #tpu.memory_space<hbm>> -> memref<256xi32, #tpu.memory_space<hbm>>
      tpu.wait_dma2 semaphore(%run_scoped3A : memref<!tpu.dma_semaphore, #tpu.memory_space<semaphore_mem>>) src(%dma_wait3A_34 : memref<256xi32, #tpu.memory_space<hbm>>) dst(%arg6 : memref<256xi32, #tpu.memory_space<vmem>>)
      tpu.yield
    }) : () -> ()
    "tpu.region"() ({
      %run_scoped3A = tpu.sem_alloc : memref<!tpu.dma_semaphore, #tpu.memory_space<semaphore_mem>>
      %dma_start3A = tpu.memref_slice %arg3[%mul3A_2] : memref<8192xf32, #tpu.memory_space<hbm>> -> memref<256xf32, #tpu.memory_space<hbm>>
      %dma_start3A_33 = tpu.memref_slice %arg3[%mul3A_2] : memref<8192xf32, #tpu.memory_space<hbm>> -> memref<256xf32, #tpu.memory_space<hbm>>
      tpu.enqueue_dma source(%dma_start3A_33 : memref<256xf32, #tpu.memory_space<hbm>>) target(%arg7 : memref<256xf32, #tpu.memory_space<vmem>>) target_semaphore(%run_scoped3A : memref<!tpu.dma_semaphore, #tpu.memory_space<semaphore_mem>>)
      %dma_wait3A = tpu.memref_slice %arg3[%mul3A_2] : memref<8192xf32, #tpu.memory_space<hbm>> -> memref<256xf32, #tpu.memory_space<hbm>>
      %dma_wait3A_34 = tpu.memref_slice %arg3[%mul3A_2] : memref<8192xf32, #tpu.memory_space<hbm>> -> memref<256xf32, #tpu.memory_space<hbm>>
      tpu.wait_dma2 semaphore(%run_scoped3A : memref<!tpu.dma_semaphore, #tpu.memory_space<semaphore_mem>>) src(%dma_wait3A_34 : memref<256xf32, #tpu.memory_space<hbm>>) dst(%arg7 : memref<256xf32, #tpu.memory_space<vmem>>)
      tpu.yield
    }) : () -> ()
    "tpu.region"() ({
      %run_scoped3A = tpu.sem_alloc : memref<!tpu.dma_semaphore, #tpu.memory_space<semaphore_mem>>
      tpu.enqueue_dma source(%arg4 : memref<4096xi32, #tpu.memory_space<hbm>>) target(%arg8 : memref<4096xi32, #tpu.memory_space<vmem>>) target_semaphore(%run_scoped3A : memref<!tpu.dma_semaphore, #tpu.memory_space<semaphore_mem>>)
      tpu.wait_dma2 semaphore(%run_scoped3A : memref<!tpu.dma_semaphore, #tpu.memory_space<semaphore_mem>>) src(%arg4 : memref<4096xi32, #tpu.memory_space<hbm>>) dst(%arg8 : memref<4096xi32, #tpu.memory_space<vmem>>)
      tpu.yield
    }) : () -> ()
    %broadcast_in_dim3A = arith.constant 0 : i32
    %broadcast_in_dim3A_3 = vector.broadcast %broadcast_in_dim3A : i32 to vector<16xi32>
    %while3A = arith.constant 0 : i32
    %while3A_4 = arith.subi %add3A, %while3A : i32
    %while3A_5 = arith.addi %while3A, %while3A_4 : i32
    %while3A_6 = arith.constant 1 : i32
    %while3A_7 = arith.divsi %while3A_4, %while3A_6 : i32
    %while3A_8 = arith.muli %while3A_7, %while3A_6 : i32
    %while3A_9 = arith.addi %while3A, %while3A_8 : i32
    %while3A_10 = arith.constant 1 : i32
    %while3A_11 = scf.for %while3A_33 = %while3A to %while3A_9 step %while3A_10 iter_args(%while3A_34 = %broadcast_in_dim3A_3) -> (vector<16xi32>)  : i32 {
      %mul3A_35 = arith.constant 128 : i32
      %mul3A_36 = arith.muli %while3A_33, %mul3A_35 : i32
      %get3A = arith.index_cast %mul3A_36 : i32 to index
      %get3A_37 = tpu.vector_load %arg8[%get3A] {strides = array<i32>} : memref<4096xi32, #tpu.memory_space<vmem>>, vector<16xi32>,
      %add3A_38 = arith.addi %while3A_34, %get3A_37 : vector<16xi32>
      scf.yield %add3A_38 : vector<16xi32>
    }
    %while3A_12 = arith.constant 1 : i32
    %while3A_13 = scf.for %while3A_33 = %while3A_9 to %while3A_5 step %while3A_12 iter_args(%while3A_34 = %while3A_11) -> (vector<16xi32>)  : i32 {
      %mul3A_35 = arith.constant 128 : i32
      %mul3A_36 = arith.muli %while3A_33, %mul3A_35 : i32
      %get3A = arith.index_cast %mul3A_36 : i32 to index
      %get3A_37 = tpu.vector_load %arg8[%get3A] {strides = array<i32>} : memref<4096xi32, #tpu.memory_space<vmem>>, vector<16xi32>,
      %add3A_38 = arith.addi %while3A_34, %get3A_37 : vector<16xi32>
      scf.yield %add3A_38 : vector<16xi32>
    }
    %slice3A = vector.extract_strided_slice %while3A_13 {offsets = [0], sizes = [1], strides = [1]} : vector<16xi32> to vector<1xi32>
    %squeeze3A = vector.extract %slice3A[0] : i32 from vector<1xi32>
    %slice3A_14 = vector.extract_strided_slice %while3A_13 {offsets = [1], sizes = [1], strides = [1]} : vector<16xi32> to vector<1xi32>
    %squeeze3A_15 = vector.extract %slice3A_14[0] : i32 from vector<1xi32>
    %slice3A_16 = vector.extract_strided_slice %while3A_13 {offsets = [2], sizes = [1], strides = [1]} : vector<16xi32> to vector<1xi32>
    %squeeze3A_17 = vector.extract %slice3A_16[0] : i32 from vector<1xi32>
    %slice3A_18 = vector.extract_strided_slice %while3A_13 {offsets = [3], sizes = [1], strides = [1]} : vector<16xi32> to vector<1xi32>
    %squeeze3A_19 = vector.extract %slice3A_18[0] : i32 from vector<1xi32>
    %slice3A_20 = vector.extract_strided_slice %while3A_13 {offsets = [4], sizes = [1], strides = [1]} : vector<16xi32> to vector<1xi32>
    %squeeze3A_21 = vector.extract %slice3A_20[0] : i32 from vector<1xi32>
    %slice3A_22 = vector.extract_strided_slice %while3A_13 {offsets = [5], sizes = [1], strides = [1]} : vector<16xi32> to vector<1xi32>
    %squeeze3A_23 = vector.extract %slice3A_22[0] : i32 from vector<1xi32>
    %slice3A_24 = vector.extract_strided_slice %while3A_13 {offsets = [6], sizes = [1], strides = [1]} : vector<16xi32> to vector<1xi32>
    %squeeze3A_25 = vector.extract %slice3A_24[0] : i32 from vector<1xi32>
    %slice3A_26 = vector.extract_strided_slice %while3A_13 {offsets = [7], sizes = [1], strides = [1]} : vector<16xi32> to vector<1xi32>
    %squeeze3A_27 = vector.extract %slice3A_26[0] : i32 from vector<1xi32>
    %scan3A = arith.constant 0 : i32
    %scan3A_28 = arith.constant 16 : i32
    %scan3A_29 = arith.addi %scan3A, %scan3A_28 : i32
    %scan3A_30 = arith.constant 1 : i32
    %scan3A_31:8 = scf.for %scan3A_33 = %scan3A to %scan3A_29 step %scan3A_30 iter_args(%scan3A_34 = %squeeze3A, %scan3A_35 = %squeeze3A_15, %scan3A_36 = %squeeze3A_17, %scan3A_37 = %squeeze3A_19, %scan3A_38 = %squeeze3A_21, %scan3A_39 = %squeeze3A_23, %scan3A_40 = %squeeze3A_25, %scan3A_41 = %squeeze3A_27) -> (i32, i32, i32, i32, i32, i32, i32, i32)  : i32 {
      %mul3A_42 = arith.constant 16 : i32
      %mul3A_43 = arith.muli %scan3A_33, %mul3A_42 : i32
      %get3A = arith.index_cast %mul3A_43 : i32 to index
      %get3A_44 = tpu.vector_load %arg6[%get3A] {strides = array<i32>} : memref<256xi32, #tpu.memory_space<vmem>>, vector<16xi32>,
      %mul3A_45 = arith.constant 16 : i32
      %mul3A_46 = arith.muli %scan3A_33, %mul3A_45 : i32
      %get3A_47 = arith.index_cast %mul3A_46 : i32 to index
      %get3A_48 = tpu.vector_load %arg7[%get3A_47] {strides = array<i32>} : memref<256xf32, #tpu.memory_space<vmem>>, vector<16xf32>,
      %broadcast_in_dim3A_49 = arith.constant 0.000000e+00 : f32
      %broadcast_in_dim3A_50 = vector.broadcast %broadcast_in_dim3A_49 : f32 to vector<16xf32>
      %eq3A = arith.constant 0 : i32
      %eq3A_51 = vector.broadcast %eq3A : i32 to vector<16xi32>
      %eq3A_52 = arith.cmpi eq, %get3A_44, %eq3A_51 : vector<16xi32>
      %convert_element_type3A = arith.extui %eq3A_52 : vector<16xi1> to vector<16xi32>
      %broadcast_in_dim3A_53 = arith.constant true
      %broadcast_in_dim3A_54 = vector.broadcast %broadcast_in_dim3A_53 : i1 to vector<16xi1>
      %masked_cumsum3A = tpu.scan <sum>, %convert_element_type3A masked %broadcast_in_dim3A_54 : vector<16xi32>, vector<16xi1> -> vector<16xi32>
      %add3A_55 = vector.broadcast %scan3A_34 : i32 to vector<16xi32>
      %add3A_56 = arith.addi %add3A_55, %masked_cumsum3A : vector<16xi32>
      %sub3A = arith.constant 1 : i32
      %sub3A_57 = vector.broadcast %sub3A : i32 to vector<16xi32>
      %sub3A_58 = arith.subi %add3A_56, %sub3A_57 : vector<16xi32>
      %lt3A = arith.constant 100 : i32
      %lt3A_59 = vector.broadcast %lt3A : i32 to vector<16xi32>
      %lt3A_60 = arith.cmpi slt, %sub3A_58, %lt3A_59 : vector<16xi32>
      %and3A = arith.andi %eq3A_52, %lt3A_60 : vector<16xi1>
      %select_n3A = arith.select %and3A, %get3A_48, %broadcast_in_dim3A_50 : vector<16xi1>, vector<16xf32>
      %convert_element_type3A_61 = arith.extui %eq3A_52 : vector<16xi1> to vector<16xi32>
      %reduce_sum3A = arith.constant true
      %reduce_sum3A_62 = vector.broadcast %reduce_sum3A : i1 to vector<16xi1>
      %reduce_sum3A_63 = tpu.scan <sum>, %convert_element_type3A_61 masked %reduce_sum3A_62 : vector<16xi32>, vector<16xi1> -> vector<16xi32>
      %reduce_sum3A_64 = vector.extract %reduce_sum3A_63[15] : i32 from vector<16xi32>
      %add3A_65 = arith.addi %scan3A_34, %reduce_sum3A_64 : i32
      %eq3A_66 = arith.constant 1 : i32
      %eq3A_67 = vector.broadcast %eq3A_66 : i32 to vector<16xi32>
      %eq3A_68 = arith.cmpi eq, %get3A_44, %eq3A_67 : vector<16xi32>
      %convert_element_type3A_69 = arith.extui %eq3A_68 : vector<16xi1> to vector<16xi32>
      %broadcast_in_dim3A_70 = arith.constant true
      %broadcast_in_dim3A_71 = vector.broadcast %broadcast_in_dim3A_70 : i1 to vector<16xi1>
      %masked_cumsum3A_72 = tpu.scan <sum>, %convert_element_type3A_69 masked %broadcast_in_dim3A_71 : vector<16xi32>, vector<16xi1> -> vector<16xi32>
      %add3A_73 = vector.broadcast %scan3A_35 : i32 to vector<16xi32>
      %add3A_74 = arith.addi %add3A_73, %masked_cumsum3A_72 : vector<16xi32>
      %sub3A_75 = arith.constant 1 : i32
      %sub3A_76 = vector.broadcast %sub3A_75 : i32 to vector<16xi32>
      %sub3A_77 = arith.subi %add3A_74, %sub3A_76 : vector<16xi32>
      %lt3A_78 = arith.constant 100 : i32
      %lt3A_79 = vector.broadcast %lt3A_78 : i32 to vector<16xi32>
      %lt3A_80 = arith.cmpi slt, %sub3A_77, %lt3A_79 : vector<16xi32>
      %and3A_81 = arith.andi %eq3A_68, %lt3A_80 : vector<16xi1>
      %select_n3A_82 = arith.select %and3A_81, %get3A_48, %select_n3A : vector<16xi1>, vector<16xf32>
      %convert_element_type3A_83 = arith.extui %eq3A_68 : vector<16xi1> to vector<16xi32>
      %reduce_sum3A_84 = arith.constant true
      %reduce_sum3A_85 = vector.broadcast %reduce_sum3A_84 : i1 to vector<16xi1>
      %reduce_sum3A_86 = tpu.scan <sum>, %convert_element_type3A_83 masked %reduce_sum3A_85 : vector<16xi32>, vector<16xi1> -> vector<16xi32>
      %reduce_sum3A_87 = vector.extract %reduce_sum3A_86[15] : i32 from vector<16xi32>
      %add3A_88 = arith.addi %scan3A_35, %reduce_sum3A_87 : i32
      %eq3A_89 = arith.constant 2 : i32
      %eq3A_90 = vector.broadcast %eq3A_89 : i32 to vector<16xi32>
      %eq3A_91 = arith.cmpi eq, %get3A_44, %eq3A_90 : vector<16xi32>
      %convert_element_type3A_92 = arith.extui %eq3A_91 : vector<16xi1> to vector<16xi32>
      %broadcast_in_dim3A_93 = arith.constant true
      %broadcast_in_dim3A_94 = vector.broadcast %broadcast_in_dim3A_93 : i1 to vector<16xi1>
      %masked_cumsum3A_95 = tpu.scan <sum>, %convert_element_type3A_92 masked %broadcast_in_dim3A_94 : vector<16xi32>, vector<16xi1> -> vector<16xi32>
      %add3A_96 = vector.broadcast %scan3A_36 : i32 to vector<16xi32>
      %add3A_97 = arith.addi %add3A_96, %masked_cumsum3A_95 : vector<16xi32>
      %sub3A_98 = arith.constant 1 : i32
      %sub3A_99 = vector.broadcast %sub3A_98 : i32 to vector<16xi32>
      %sub3A_100 = arith.subi %add3A_97, %sub3A_99 : vector<16xi32>
      %lt3A_101 = arith.constant 100 : i32
      %lt3A_102 = vector.broadcast %lt3A_101 : i32 to vector<16xi32>
      %lt3A_103 = arith.cmpi slt, %sub3A_100, %lt3A_102 : vector<16xi32>
      %and3A_104 = arith.andi %eq3A_91, %lt3A_103 : vector<16xi1>
      %select_n3A_105 = arith.select %and3A_104, %get3A_48, %select_n3A_82 : vector<16xi1>, vector<16xf32>
      %convert_element_type3A_106 = arith.extui %eq3A_91 : vector<16xi1> to vector<16xi32>
      %reduce_sum3A_107 = arith.constant true
      %reduce_sum3A_108 = vector.broadcast %reduce_sum3A_107 : i1 to vector<16xi1>
      %reduce_sum3A_109 = tpu.scan <sum>, %convert_element_type3A_106 masked %reduce_sum3A_108 : vector<16xi32>, vector<16xi1> -> vector<16xi32>
      %reduce_sum3A_110 = vector.extract %reduce_sum3A_109[15] : i32 from vector<16xi32>
      %add3A_111 = arith.addi %scan3A_36, %reduce_sum3A_110 : i32
      %eq3A_112 = arith.constant 3 : i32
      %eq3A_113 = vector.broadcast %eq3A_112 : i32 to vector<16xi32>
      %eq3A_114 = arith.cmpi eq, %get3A_44, %eq3A_113 : vector<16xi32>
      %convert_element_type3A_115 = arith.extui %eq3A_114 : vector<16xi1> to vector<16xi32>
      %broadcast_in_dim3A_116 = arith.constant true
      %broadcast_in_dim3A_117 = vector.broadcast %broadcast_in_dim3A_116 : i1 to vector<16xi1>
      %masked_cumsum3A_118 = tpu.scan <sum>, %convert_element_type3A_115 masked %broadcast_in_dim3A_117 : vector<16xi32>, vector<16xi1> -> vector<16xi32>
      %add3A_119 = vector.broadcast %scan3A_37 : i32 to vector<16xi32>
      %add3A_120 = arith.addi %add3A_119, %masked_cumsum3A_118 : vector<16xi32>
      %sub3A_121 = arith.constant 1 : i32
      %sub3A_122 = vector.broadcast %sub3A_121 : i32 to vector<16xi32>
      %sub3A_123 = arith.subi %add3A_120, %sub3A_122 : vector<16xi32>
      %lt3A_124 = arith.constant 100 : i32
      %lt3A_125 = vector.broadcast %lt3A_124 : i32 to vector<16xi32>
      %lt3A_126 = arith.cmpi slt, %sub3A_123, %lt3A_125 : vector<16xi32>
      %and3A_127 = arith.andi %eq3A_114, %lt3A_126 : vector<16xi1>
      %select_n3A_128 = arith.select %and3A_127, %get3A_48, %select_n3A_105 : vector<16xi1>, vector<16xf32>
      %convert_element_type3A_129 = arith.extui %eq3A_114 : vector<16xi1> to vector<16xi32>
      %reduce_sum3A_130 = arith.constant true
      %reduce_sum3A_131 = vector.broadcast %reduce_sum3A_130 : i1 to vector<16xi1>
      %reduce_sum3A_132 = tpu.scan <sum>, %convert_element_type3A_129 masked %reduce_sum3A_131 : vector<16xi32>, vector<16xi1> -> vector<16xi32>
      %reduce_sum3A_133 = vector.extract %reduce_sum3A_132[15] : i32 from vector<16xi32>
      %add3A_134 = arith.addi %scan3A_37, %reduce_sum3A_133 : i32
      %eq3A_135 = arith.constant 4 : i32
      %eq3A_136 = vector.broadcast %eq3A_135 : i32 to vector<16xi32>
      %eq3A_137 = arith.cmpi eq, %get3A_44, %eq3A_136 : vector<16xi32>
      %convert_element_type3A_138 = arith.extui %eq3A_137 : vector<16xi1> to vector<16xi32>
      %broadcast_in_dim3A_139 = arith.constant true
      %broadcast_in_dim3A_140 = vector.broadcast %broadcast_in_dim3A_139 : i1 to vector<16xi1>
      %masked_cumsum3A_141 = tpu.scan <sum>, %convert_element_type3A_138 masked %broadcast_in_dim3A_140 : vector<16xi32>, vector<16xi1> -> vector<16xi32>
      %add3A_142 = vector.broadcast %scan3A_38 : i32 to vector<16xi32>
      %add3A_143 = arith.addi %add3A_142, %masked_cumsum3A_141 : vector<16xi32>
      %sub3A_144 = arith.constant 1 : i32
      %sub3A_145 = vector.broadcast %sub3A_144 : i32 to vector<16xi32>
      %sub3A_146 = arith.subi %add3A_143, %sub3A_145 : vector<16xi32>
      %lt3A_147 = arith.constant 100 : i32
      %lt3A_148 = vector.broadcast %lt3A_147 : i32 to vector<16xi32>
      %lt3A_149 = arith.cmpi slt, %sub3A_146, %lt3A_148 : vector<16xi32>
      %and3A_150 = arith.andi %eq3A_137, %lt3A_149 : vector<16xi1>
      %select_n3A_151 = arith.select %and3A_150, %get3A_48, %select_n3A_128 : vector<16xi1>, vector<16xf32>
      %convert_element_type3A_152 = arith.extui %eq3A_137 : vector<16xi1> to vector<16xi32>
      %reduce_sum3A_153 = arith.constant true
      %reduce_sum3A_154 = vector.broadcast %reduce_sum3A_153 : i1 to vector<16xi1>
      %reduce_sum3A_155 = tpu.scan <sum>, %convert_element_type3A_152 masked %reduce_sum3A_154 : vector<16xi32>, vector<16xi1> -> vector<16xi32>
      %reduce_sum3A_156 = vector.extract %reduce_sum3A_155[15] : i32 from vector<16xi32>
      %add3A_157 = arith.addi %scan3A_38, %reduce_sum3A_156 : i32
      %eq3A_158 = arith.constant 5 : i32
      %eq3A_159 = vector.broadcast %eq3A_158 : i32 to vector<16xi32>
      %eq3A_160 = arith.cmpi eq, %get3A_44, %eq3A_159 : vector<16xi32>
      %convert_element_type3A_161 = arith.extui %eq3A_160 : vector<16xi1> to vector<16xi32>
      %broadcast_in_dim3A_162 = arith.constant true
      %broadcast_in_dim3A_163 = vector.broadcast %broadcast_in_dim3A_162 : i1 to vector<16xi1>
      %masked_cumsum3A_164 = tpu.scan <sum>, %convert_element_type3A_161 masked %broadcast_in_dim3A_163 : vector<16xi32>, vector<16xi1> -> vector<16xi32>
      %add3A_165 = vector.broadcast %scan3A_39 : i32 to vector<16xi32>
      %add3A_166 = arith.addi %add3A_165, %masked_cumsum3A_164 : vector<16xi32>
      %sub3A_167 = arith.constant 1 : i32
      %sub3A_168 = vector.broadcast %sub3A_167 : i32 to vector<16xi32>
      %sub3A_169 = arith.subi %add3A_166, %sub3A_168 : vector<16xi32>
      %lt3A_170 = arith.constant 100 : i32
      %lt3A_171 = vector.broadcast %lt3A_170 : i32 to vector<16xi32>
      %lt3A_172 = arith.cmpi slt, %sub3A_169, %lt3A_171 : vector<16xi32>
      %and3A_173 = arith.andi %eq3A_160, %lt3A_172 : vector<16xi1>
      %select_n3A_174 = arith.select %and3A_173, %get3A_48, %select_n3A_151 : vector<16xi1>, vector<16xf32>
      %convert_element_type3A_175 = arith.extui %eq3A_160 : vector<16xi1> to vector<16xi32>
      %reduce_sum3A_176 = arith.constant true
      %reduce_sum3A_177 = vector.broadcast %reduce_sum3A_176 : i1 to vector<16xi1>
      %reduce_sum3A_178 = tpu.scan <sum>, %convert_element_type3A_175 masked %reduce_sum3A_177 : vector<16xi32>, vector<16xi1> -> vector<16xi32>
      %reduce_sum3A_179 = vector.extract %reduce_sum3A_178[15] : i32 from vector<16xi32>
      %add3A_180 = arith.addi %scan3A_39, %reduce_sum3A_179 : i32
      %eq3A_181 = arith.constant 6 : i32
      %eq3A_182 = vector.broadcast %eq3A_181 : i32 to vector<16xi32>
      %eq3A_183 = arith.cmpi eq, %get3A_44, %eq3A_182 : vector<16xi32>
      %convert_element_type3A_184 = arith.extui %eq3A_183 : vector<16xi1> to vector<16xi32>
      %broadcast_in_dim3A_185 = arith.constant true
      %broadcast_in_dim3A_186 = vector.broadcast %broadcast_in_dim3A_185 : i1 to vector<16xi1>
      %masked_cumsum3A_187 = tpu.scan <sum>, %convert_element_type3A_184 masked %broadcast_in_dim3A_186 : vector<16xi32>, vector<16xi1> -> vector<16xi32>
      %add3A_188 = vector.broadcast %scan3A_40 : i32 to vector<16xi32>
      %add3A_189 = arith.addi %add3A_188, %masked_cumsum3A_187 : vector<16xi32>
      %sub3A_190 = arith.constant 1 : i32
      %sub3A_191 = vector.broadcast %sub3A_190 : i32 to vector<16xi32>
      %sub3A_192 = arith.subi %add3A_189, %sub3A_191 : vector<16xi32>
      %lt3A_193 = arith.constant 100 : i32
      %lt3A_194 = vector.broadcast %lt3A_193 : i32 to vector<16xi32>
      %lt3A_195 = arith.cmpi slt, %sub3A_192, %lt3A_194 : vector<16xi32>
      %and3A_196 = arith.andi %eq3A_183, %lt3A_195 : vector<16xi1>
      %select_n3A_197 = arith.select %and3A_196, %get3A_48, %select_n3A_174 : vector<16xi1>, vector<16xf32>
      %convert_element_type3A_198 = arith.extui %eq3A_183 : vector<16xi1> to vector<16xi32>
      %reduce_sum3A_199 = arith.constant true
      %reduce_sum3A_200 = vector.broadcast %reduce_sum3A_199 : i1 to vector<16xi1>
      %reduce_sum3A_201 = tpu.scan <sum>, %convert_element_type3A_198 masked %reduce_sum3A_200 : vector<16xi32>, vector<16xi1> -> vector<16xi32>
      %reduce_sum3A_202 = vector.extract %reduce_sum3A_201[15] : i32 from vector<16xi32>
      %add3A_203 = arith.addi %scan3A_40, %reduce_sum3A_202 : i32
      %eq3A_204 = arith.constant 7 : i32
      %eq3A_205 = vector.broadcast %eq3A_204 : i32 to vector<16xi32>
      %eq3A_206 = arith.cmpi eq, %get3A_44, %eq3A_205 : vector<16xi32>
      %convert_element_type3A_207 = arith.extui %eq3A_206 : vector<16xi1> to vector<16xi32>
      %broadcast_in_dim3A_208 = arith.constant true
      %broadcast_in_dim3A_209 = vector.broadcast %broadcast_in_dim3A_208 : i1 to vector<16xi1>
      %masked_cumsum3A_210 = tpu.scan <sum>, %convert_element_type3A_207 masked %broadcast_in_dim3A_209 : vector<16xi32>, vector<16xi1> -> vector<16xi32>
      %add3A_211 = vector.broadcast %scan3A_41 : i32 to vector<16xi32>
      %add3A_212 = arith.addi %add3A_211, %masked_cumsum3A_210 : vector<16xi32>
      %sub3A_213 = arith.constant 1 : i32
      %sub3A_214 = vector.broadcast %sub3A_213 : i32 to vector<16xi32>
      %sub3A_215 = arith.subi %add3A_212, %sub3A_214 : vector<16xi32>
      %lt3A_216 = arith.constant 100 : i32
      %lt3A_217 = vector.broadcast %lt3A_216 : i32 to vector<16xi32>
      %lt3A_218 = arith.cmpi slt, %sub3A_215, %lt3A_217 : vector<16xi32>
      %and3A_219 = arith.andi %eq3A_206, %lt3A_218 : vector<16xi1>
      %select_n3A_220 = arith.select %and3A_219, %get3A_48, %select_n3A_197 : vector<16xi1>, vector<16xf32>
      %convert_element_type3A_221 = arith.extui %eq3A_206 : vector<16xi1> to vector<16xi32>
      %reduce_sum3A_222 = arith.constant true
      %reduce_sum3A_223 = vector.broadcast %reduce_sum3A_222 : i1 to vector<16xi1>
      %reduce_sum3A_224 = tpu.scan <sum>, %convert_element_type3A_221 masked %reduce_sum3A_223 : vector<16xi32>, vector<16xi1> -> vector<16xi32>
      %reduce_sum3A_225 = vector.extract %reduce_sum3A_224[15] : i32 from vector<16xi32>
      %add3A_226 = arith.addi %scan3A_41, %reduce_sum3A_225 : i32
      %mul3A_227 = arith.constant 16 : i32
      %mul3A_228 = arith.muli %scan3A_33, %mul3A_227 : i32
      %swap3A = arith.index_cast %mul3A_228 : i32 to index
      %swap3A_229 = tpu.vector_load %arg9[%swap3A] {strides = array<i32>} : memref<256xf32, #tpu.memory_space<vmem>>, vector<16xf32>,
      tpu.vector_store %arg9[%swap3A], %select_n3A_220 {strides = array<i32>} : memref<256xf32, #tpu.memory_space<vmem>>, vector<16xf32>,
      scf.yield %add3A_65, %add3A_88, %add3A_111, %add3A_134, %add3A_157, %add3A_180, %add3A_203, %add3A_226 : i32, i32, i32, i32, i32, i32, i32, i32
    }
    %scan3A_32 = arith.constant 16 : i32
    "tpu.region"() ({
      %run_scoped3A = tpu.sem_alloc : memref<!tpu.dma_semaphore, #tpu.memory_space<semaphore_mem>>
      %dma_start3A = tpu.memref_slice %arg5[%mul3A_2] : memref<8192xf32, #tpu.memory_space<hbm>> -> memref<256xf32, #tpu.memory_space<hbm>>
      %dma_start3A_33 = tpu.memref_slice %arg5[%mul3A_2] : memref<8192xf32, #tpu.memory_space<hbm>> -> memref<256xf32, #tpu.memory_space<hbm>>
      tpu.enqueue_dma source(%arg9 : memref<256xf32, #tpu.memory_space<vmem>>) target(%dma_start3A_33 : memref<256xf32, #tpu.memory_space<hbm>>) target_semaphore(%run_scoped3A : memref<!tpu.dma_semaphore, #tpu.memory_space<semaphore_mem>>)
      %dma_wait3A = tpu.memref_slice %arg5[%mul3A_2] : memref<8192xf32, #tpu.memory_space<hbm>> -> memref<256xf32, #tpu.memory_space<hbm>>
      %dma_wait3A_34 = tpu.memref_slice %arg5[%mul3A_2] : memref<8192xf32, #tpu.memory_space<hbm>> -> memref<256xf32, #tpu.memory_space<hbm>>
      tpu.wait_dma2 semaphore(%run_scoped3A : memref<!tpu.dma_semaphore, #tpu.memory_space<semaphore_mem>>) src(%arg9 : memref<256xf32, #tpu.memory_space<vmem>>) dst(%dma_wait3A_34 : memref<256xf32, #tpu.memory_space<hbm>>)
      tpu.yield
    }) : () -> ()
    return
  }
}

module attributes {stable_mosaic.version = 14 : i64} {
  func.func @_router_body(%arg0: i32, %arg1: memref<1024x1024xf32, #tpu.memory_space<vmem>>, %arg2: memref<1024x128xf32, #tpu.memory_space<vmem>>, %arg3: memref<1x128xf32, #tpu.memory_space<vmem>>, %arg4: memref<1024x1xf32, #tpu.memory_space<vmem>>, %arg5: memref<1024x1xi32, #tpu.memory_space<vmem>>, %arg6: memref<4x1x128xi32, #tpu.memory_space<vmem>>, %arg7: memref<1024x1024xbf16, #tpu.memory_space<vmem>>) attributes {dimension_semantics = [#tpu.dimension_semantics<arbitrary>], iteration_bounds = array<i64: 8>, scalar_prefetch = 0 : i64, scratch_operands = 0 : i64, tpu.core_type = #tpu.core_type<tc>, window_params = [{transform_indices = @transform_0, window_bounds = array<i64: 1024, 1024>}, {pipeline_mode = #tpu.pipeline_mode<synchronous>, transform_indices = @transform_1, window_bounds = array<i64: 1024, 128>}, {pipeline_mode = #tpu.pipeline_mode<synchronous>, transform_indices = @transform_2, window_bounds = array<i64: 1, 128>}, {transform_indices = @transform_3, window_bounds = array<i64: 1024, 1>}, {transform_indices = @transform_4, window_bounds = array<i64: 1024, 1>}, {transform_indices = @transform_5, window_bounds = array<i64: 4, 1, 128>}, {transform_indices = @transform_6, window_bounds = array<i64: 1024, 1024>}]} {
    %get3A = arith.constant 0 : index
    %get3A_0 = arith.constant 0 : index
    %get3A_1 = vector.load %arg1[%get3A, %get3A_0] : memref<1024x1024xf32, #tpu.memory_space<vmem>>, vector<1024x1024xf32>
    %get3A_2 = arith.constant 0 : index
    %get3A_3 = arith.constant 0 : index
    %get3A_4 = vector.load %arg2[%get3A_2, %get3A_3] : memref<1024x128xf32, #tpu.memory_space<vmem>>, vector<1024x128xf32>
    %dot_general3A = arith.constant dense<0.000000e+00> : vector<1024x128xf32>
    %dot_general3A_5 = tpu.matmul %get3A_1, %get3A_4, %dot_general3A {dimension_numbers = #tpu.dot_dimension_numbers<[1], [0], [0], [1], [0, 0, 1, 1], [], []>, transpose_lhs_hint = false} : vector<1024x1024xf32>, vector<1024x128xf32>, vector<1024x128xf32> -> vector<1024x128xf32>
    %get3A_6 = arith.constant 0 : index
    %get3A_7 = arith.constant 0 : index
    %get3A_8 = vector.load %arg3[%get3A_6, %get3A_7] : memref<1x128xf32, #tpu.memory_space<vmem>>, vector<1x128xf32>
    %add3A = vector.broadcast %get3A_8 : vector<1x128xf32> to vector<1024x128xf32>
    %add3A_9 = arith.addf %dot_general3A_5, %add3A : vector<1024x128xf32>
    %reduce_max3A = arith.constant dense<0xFF800000> : vector<1024xf32>
    %reduce_max3A_10 = vector.multi_reduction <maximumf>, %add3A_9, %reduce_max3A [1] : vector<1024x128xf32> to vector<1024xf32>
    %broadcast_in_dim3A = vector.shape_cast %reduce_max3A_10 : vector<1024xf32> to vector<1024x1xf32>
    %sub3A = vector.broadcast %broadcast_in_dim3A : vector<1024x1xf32> to vector<1024x128xf32>
    %sub3A_11 = arith.subf %add3A_9, %sub3A : vector<1024x128xf32>
    %exp3A = math.exp %sub3A_11 : vector<1024x128xf32>
    %reduce_sum3A = arith.constant dense<0.000000e+00> : vector<1024xf32>
    %reduce_sum3A_12 = vector.multi_reduction <add>, %exp3A, %reduce_sum3A [1] : vector<1024x128xf32> to vector<1024xf32>
    %broadcast_in_dim3A_13 = vector.shape_cast %reduce_sum3A_12 : vector<1024xf32> to vector<1024x1xf32>
    %div3A = arith.constant 1.000000e+00 : f32
    %div3A_14 = vector.broadcast %div3A : f32 to vector<1024x1xf32>
    %div3A_15 = arith.divf %div3A_14, %broadcast_in_dim3A_13 : vector<1024x1xf32>
    %swap3A = arith.constant 0 : index
    %swap3A_16 = arith.constant 0 : index
    %swap3A_17 = vector.load %arg4[%swap3A, %swap3A_16] : memref<1024x1xf32, #tpu.memory_space<vmem>>, vector<1024x1xf32>
    tpu.vector_store %arg4[%swap3A, %swap3A_16], %div3A_15 {strides = array<i32>} : memref<1024x1xf32, #tpu.memory_space<vmem>>, vector<1024x1xf32>,
    %iota3A = tpu.iota {dimensions = array<i32: 1>} : vector<1024x128xi32>
    %eq3A = vector.broadcast %broadcast_in_dim3A : vector<1024x1xf32> to vector<1024x128xf32>
    %eq3A_18 = arith.cmpf oeq, %add3A_9, %eq3A : vector<1024x128xf32>
    %jit3A = arith.constant 128 : i32
    %broadcast_in_dim3A_19 = vector.broadcast %jit3A : i32 to vector<1024x128xi32>
    %select_n3A = arith.select %eq3A_18, %iota3A, %broadcast_in_dim3A_19 : vector<1024x128xi1>, vector<1024x128xi32>
    %reduce_min3A = arith.constant dense<2147483647> : vector<1024xi32>
    %reduce_min3A_20 = vector.multi_reduction <minsi>, %select_n3A, %reduce_min3A [1] : vector<1024x128xi32> to vector<1024xi32>
    %broadcast_in_dim3A_21 = vector.shape_cast %reduce_min3A_20 : vector<1024xi32> to vector<1024x1xi32>
    %swap3A_22 = arith.constant 0 : index
    %swap3A_23 = arith.constant 0 : index
    %swap3A_24 = vector.load %arg5[%swap3A_22, %swap3A_23] : memref<1024x1xi32, #tpu.memory_space<vmem>>, vector<1024x1xi32>
    tpu.vector_store %arg5[%swap3A_22, %swap3A_23], %broadcast_in_dim3A_21 {strides = array<i32>} : memref<1024x1xi32, #tpu.memory_space<vmem>>, vector<1024x1xi32>,
    %iota3A_25 = tpu.iota {dimensions = array<i32: 1>} : vector<4x1024xi32>
    %jit3A_26 = arith.constant 256 : i32
    %div3A_27 = vector.broadcast %jit3A_26 : i32 to vector<4x1024xi32>
    %div3A_28 = arith.divsi %iota3A_25, %div3A_27 : vector<4x1024xi32>
    %sign3A = arith.constant 0 : i32
    %sign3A_29 = vector.broadcast %sign3A : i32 to vector<4x1024xi32>
    %sign3A_30 = arith.cmpi sgt, %iota3A_25, %sign3A_29 : vector<4x1024xi32>
    %sign3A_31 = arith.extui %sign3A_30 : vector<4x1024xi1> to vector<4x1024xi32>
    %sign3A_32 = arith.constant 0 : i32
    %sign3A_33 = vector.broadcast %sign3A_32 : i32 to vector<4x1024xi32>
    %sign3A_34 = arith.cmpi slt, %iota3A_25, %sign3A_33 : vector<4x1024xi32>
    %sign3A_35 = arith.extui %sign3A_34 : vector<4x1024xi1> to vector<4x1024xi32>
    %sign3A_36 = arith.subi %sign3A_31, %sign3A_35 : vector<4x1024xi32>
    %sign3A_37 = arith.constant 0 : i32
    %sign3A_38 = arith.cmpi sgt, %jit3A_26, %sign3A_37 : i32
    %sign3A_39 = arith.extui %sign3A_38 : i1 to i32
    %sign3A_40 = arith.constant 0 : i32
    %sign3A_41 = arith.cmpi slt, %jit3A_26, %sign3A_40 : i32
    %sign3A_42 = arith.extui %sign3A_41 : i1 to i32
    %sign3A_43 = arith.subi %sign3A_39, %sign3A_42 : i32
    %ne3A = vector.broadcast %sign3A_43 : i32 to vector<4x1024xi32>
    %ne3A_44 = arith.cmpi ne, %sign3A_36, %ne3A : vector<4x1024xi32>
    %rem3A = vector.broadcast %jit3A_26 : i32 to vector<4x1024xi32>
    %rem3A_45 = arith.remsi %iota3A_25, %rem3A : vector<4x1024xi32>
    %ne3A_46 = arith.constant 0 : i32
    %ne3A_47 = vector.broadcast %ne3A_46 : i32 to vector<4x1024xi32>
    %ne3A_48 = arith.cmpi ne, %rem3A_45, %ne3A_47 : vector<4x1024xi32>
    %and3A = arith.andi %ne3A_44, %ne3A_48 : vector<4x1024xi1>
    %sub3A_49 = arith.constant 1 : i32
    %sub3A_50 = vector.broadcast %sub3A_49 : i32 to vector<4x1024xi32>
    %sub3A_51 = arith.subi %div3A_28, %sub3A_50 : vector<4x1024xi32>
    %select_n3A_52 = arith.select %and3A, %sub3A_51, %div3A_28 : vector<4x1024xi1>, vector<4x1024xi32>
    %iota3A_53 = tpu.iota {dimensions = array<i32: 0>} : vector<4x1024xi32>
    %eq3A_54 = arith.cmpi eq, %select_n3A_52, %iota3A_53 : vector<4x1024xi32>
    %convert_element_type3A = arith.extui %eq3A_54 : vector<4x1024xi1> to vector<4x1024xi32>
    %convert_element_type3A_55 = arith.sitofp %convert_element_type3A : vector<4x1024xi32> to vector<4x1024xf32>
    %eq3A_56 = vector.broadcast %broadcast_in_dim3A_21 : vector<1024x1xi32> to vector<1024x128xi32>
    %eq3A_57 = arith.cmpi eq, %iota3A, %eq3A_56 : vector<1024x128xi32>
    %convert_element_type3A_58 = arith.extui %eq3A_57 : vector<1024x128xi1> to vector<1024x128xi32>
    %convert_element_type3A_59 = arith.sitofp %convert_element_type3A_58 : vector<1024x128xi32> to vector<1024x128xf32>
    %dot_general3A_60 = arith.constant dense<0.000000e+00> : vector<4x128xf32>
    %dot_general3A_61 = tpu.matmul %convert_element_type3A_55, %convert_element_type3A_59, %dot_general3A_60 {dimension_numbers = #tpu.dot_dimension_numbers<[1], [0], [0], [1], [0, 0, 1, 1], [], []>, transpose_lhs_hint = false} : vector<4x1024xf32>, vector<1024x128xf32>, vector<4x128xf32> -> vector<4x128xf32>
    %convert_element_type3A_62 = arith.fptosi %dot_general3A_61 : vector<4x128xf32> to vector<4x128xi32>
    %reshape3A = vector.shape_cast %convert_element_type3A_62 : vector<4x128xi32> to vector<4x1x128xi32>
    %swap3A_63 = arith.constant 0 : index
    %swap3A_64 = arith.constant 0 : index
    %swap3A_65 = arith.constant 0 : index
    %swap3A_66 = vector.load %arg6[%swap3A_63, %swap3A_64, %swap3A_65] : memref<4x1x128xi32, #tpu.memory_space<vmem>>, vector<4x1x128xi32>
    tpu.vector_store %arg6[%swap3A_63, %swap3A_64, %swap3A_65], %reshape3A {strides = array<i32>} : memref<4x1x128xi32, #tpu.memory_space<vmem>>, vector<4x1x128xi32>,
    %convert_element_type3A_67 = arith.truncf %get3A_1 : vector<1024x1024xf32> to vector<1024x1024xbf16>
    %swap3A_68 = arith.constant 0 : index
    %swap3A_69 = arith.constant 0 : index
    %swap3A_70 = vector.load %arg7[%swap3A_68, %swap3A_69] : memref<1024x1024xbf16, #tpu.memory_space<vmem>>, vector<1024x1024xbf16>
    tpu.vector_store %arg7[%swap3A_68, %swap3A_69], %convert_element_type3A_67 {strides = array<i32>} : memref<1024x1024xbf16, #tpu.memory_space<vmem>>, vector<1024x1024xbf16>,
    return
  }
  func.func @transform_0(%arg0: i32) -> (i32, i32) {
    %c0_i32 = arith.constant 0 : i32
    %c0_i32_0 = arith.constant 0 : i32
    return %arg0, %c0_i32 : i32, i32
  }
  func.func @transform_1(%arg0: i32) -> (i32, i32) {
    %c0_i32 = arith.constant 0 : i32
    %c0_i32_0 = arith.constant 0 : i32
    %c0_i32_1 = arith.constant 0 : i32
    return %c0_i32, %c0_i32_0 : i32, i32
  }
  func.func @transform_2(%arg0: i32) -> (i32, i32) {
    %c0_i32 = arith.constant 0 : i32
    %c0_i32_0 = arith.constant 0 : i32
    %c0_i32_1 = arith.constant 0 : i32
    return %c0_i32, %c0_i32_0 : i32, i32
  }
  func.func @transform_3(%arg0: i32) -> (i32, i32) {
    %c0_i32 = arith.constant 0 : i32
    %c0_i32_0 = arith.constant 0 : i32
    return %arg0, %c0_i32 : i32, i32
  }
  func.func @transform_4(%arg0: i32) -> (i32, i32) {
    %c0_i32 = arith.constant 0 : i32
    %c0_i32_0 = arith.constant 0 : i32
    return %arg0, %c0_i32 : i32, i32
  }
  func.func @transform_5(%arg0: i32) -> (i32, i32, i32) {
    %c0_i32 = arith.constant 0 : i32
    %c0_i32_0 = arith.constant 0 : i32
    %c0_i32_1 = arith.constant 0 : i32
    return %arg0, %c0_i32, %c0_i32_0 : i32, i32, i32
  }
  func.func @transform_6(%arg0: i32) -> (i32, i32) {
    %c0_i32 = arith.constant 0 : i32
    %c0_i32_0 = arith.constant 0 : i32
    return %arg0, %c0_i32 : i32, i32
  }
}

module attributes {stable_mosaic.version = 14 : i64} {
  func.func @_combine_body(%arg0: i32, %arg1: memref<512x1024xbf16, #tpu.memory_space<vmem>>, %arg2: memref<1024x1024xbf16, #tpu.memory_space<vmem>>, %arg3: memref<1x1024xf32, #tpu.memory_space<vmem>>, %arg4: memref<512x1xf32, #tpu.memory_space<vmem>>, %arg5: memref<512x1024xf32, #tpu.memory_space<vmem>>) attributes {dimension_semantics = [#tpu.dimension_semantics<arbitrary>], iteration_bounds = array<i64: 16>, scalar_prefetch = 0 : i64, scratch_operands = 0 : i64, tpu.core_type = #tpu.core_type<tc>, window_params = [{transform_indices = @transform_0, window_bounds = array<i64: 512, 1024>}, {pipeline_mode = #tpu.pipeline_mode<synchronous>, transform_indices = @transform_1, window_bounds = array<i64: 1024, 1024>}, {pipeline_mode = #tpu.pipeline_mode<synchronous>, transform_indices = @transform_2, window_bounds = array<i64: 1, 1024>}, {transform_indices = @transform_3, window_bounds = array<i64: 512, 1>}, {transform_indices = @transform_4, window_bounds = array<i64: 512, 1024>}]} {
    %get3A = arith.constant 0 : index
    %get3A_0 = arith.constant 0 : index
    %get3A_1 = vector.load %arg4[%get3A, %get3A_0] : memref<512x1xf32, #tpu.memory_space<vmem>>, vector<512x1xf32>
    %reduce_max3A = vector.shape_cast %get3A_1 : vector<512x1xf32> to vector<1x512x1xf32>
    %reduce_max3A_2 = arith.constant dense<0xFF800000> : vector<1xf32>
    %reduce_max3A_3 = vector.multi_reduction <maximumf>, %reduce_max3A, %reduce_max3A_2 [1, 2] : vector<1x512x1xf32> to vector<1xf32>
    %reduce_max3A_4 = vector.shape_cast %reduce_max3A_3 : vector<1xf32> to vector<1x1x1xf32>
    %reduce_max3A_5 = vector.extract %reduce_max3A_4[0, 0, 0] : f32 from vector<1x1x1xf32>
    %gt3A = arith.constant 0.000000e+00 : f32
    %gt3A_6 = arith.cmpf ogt, %reduce_max3A_5, %gt3A : f32
    %convert_element_type3A = arith.extui %gt3A_6 : i1 to i32
    %cond3A = arith.constant 0 : i32
    %cond3A_7 = arith.cmpi ne, %convert_element_type3A, %cond3A : i32
    scf.if %cond3A_7 {
      %get3A_12 = arith.constant 0 : index
      %get3A_13 = arith.constant 0 : index
      %get3A_14 = vector.load %arg1[%get3A_12, %get3A_13] : memref<512x1024xbf16, #tpu.memory_space<vmem>>, vector<512x1024xbf16>
      %get3A_15 = arith.constant 0 : index
      %get3A_16 = arith.constant 0 : index
      %get3A_17 = vector.load %arg2[%get3A_15, %get3A_16] : memref<1024x1024xbf16, #tpu.memory_space<vmem>>, vector<1024x1024xbf16>
      %dot_general3A = arith.constant dense<0.000000e+00> : vector<512x1024xf32>
      %dot_general3A_18 = tpu.matmul %get3A_14, %get3A_17, %dot_general3A {dimension_numbers = #tpu.dot_dimension_numbers<[1], [0], [0], [1], [0, 0, 1, 1], [], []>, transpose_lhs_hint = false} : vector<512x1024xbf16>, vector<1024x1024xbf16>, vector<512x1024xf32> -> vector<512x1024xf32>
      %get3A_19 = arith.constant 0 : index
      %get3A_20 = arith.constant 0 : index
      %get3A_21 = vector.load %arg3[%get3A_19, %get3A_20] : memref<1x1024xf32, #tpu.memory_space<vmem>>, vector<1x1024xf32>
      %add3A = vector.broadcast %get3A_21 : vector<1x1024xf32> to vector<512x1024xf32>
      %add3A_22 = arith.addf %dot_general3A_18, %add3A : vector<512x1024xf32>
      %mul3A = vector.broadcast %get3A_1 : vector<512x1xf32> to vector<512x1024xf32>
      %mul3A_23 = arith.mulf %add3A_22, %mul3A : vector<512x1024xf32>
      %swap3A = arith.constant 0 : index
      %swap3A_24 = arith.constant 0 : index
      %swap3A_25 = vector.load %arg5[%swap3A, %swap3A_24] : memref<512x1024xf32, #tpu.memory_space<vmem>>, vector<512x1024xf32>
      tpu.vector_store %arg5[%swap3A, %swap3A_24], %mul3A_23 {strides = array<i32>} : memref<512x1024xf32, #tpu.memory_space<vmem>>, vector<512x1024xf32>,
    } else {
    }
    %le3A = arith.constant 0.000000e+00 : f32
    %le3A_8 = arith.cmpf ole, %reduce_max3A_5, %le3A : f32
    %convert_element_type3A_9 = arith.extui %le3A_8 : i1 to i32
    %cond3A_10 = arith.constant 0 : i32
    %cond3A_11 = arith.cmpi ne, %convert_element_type3A_9, %cond3A_10 : i32
    scf.if %cond3A_11 {
      %broadcast_in_dim3A = arith.constant 0.000000e+00 : f32
      %broadcast_in_dim3A_12 = vector.broadcast %broadcast_in_dim3A : f32 to vector<512x1024xf32>
      %swap3A = arith.constant 0 : index
      %swap3A_13 = arith.constant 0 : index
      %swap3A_14 = vector.load %arg5[%swap3A, %swap3A_13] : memref<512x1024xf32, #tpu.memory_space<vmem>>, vector<512x1024xf32>
      tpu.vector_store %arg5[%swap3A, %swap3A_13], %broadcast_in_dim3A_12 {strides = array<i32>} : memref<512x1024xf32, #tpu.memory_space<vmem>>, vector<512x1024xf32>,
    } else {
    }
    return
  }
  func.func @transform_0(%arg0: i32) -> (i32, i32) {
    %c0_i32 = arith.constant 0 : i32
    %c0_i32_0 = arith.constant 0 : i32
    return %arg0, %c0_i32 : i32, i32
  }
  func.func @transform_1(%arg0: i32) -> (i32, i32) {
    %c0_i32 = arith.constant 0 : i32
    %c0_i32_0 = arith.constant 0 : i32
    %c0_i32_1 = arith.constant 0 : i32
    return %c0_i32, %c0_i32_0 : i32, i32
  }
  func.func @transform_2(%arg0: i32) -> (i32, i32) {
    %c0_i32 = arith.constant 0 : i32
    %c0_i32_0 = arith.constant 0 : i32
    %c0_i32_1 = arith.constant 0 : i32
    return %c0_i32, %c0_i32_0 : i32, i32
  }
  func.func @transform_3(%arg0: i32) -> (i32, i32) {
    %c0_i32 = arith.constant 0 : i32
    %c0_i32_0 = arith.constant 0 : i32
    return %arg0, %c0_i32 : i32, i32
  }
  func.func @transform_4(%arg0: i32) -> (i32, i32) {
    %c0_i32 = arith.constant 0 : i32
    %c0_i32_0 = arith.constant 0 : i32
    return %arg0, %c0_i32 : i32, i32
  }
}

</mosaic_0001>

<sc_bundles>
// kernel: kernel.5.cloned.1.call-start
scs
__scs_entry_jumppad:
0x0: {  	(pc) =	sbr.rel $0x88, $3  }
0x1: {  	(tag) =	ssettag $0x0;
	lr =	simm.s32 $0x1  }
0x2: {  	[smem:$0x3F9C] =	sst lr;
	_ =	strace $0xD0000000  }
0x3: {  	_ = 	snop  }
0x4: {  	_ = 	snop  }
0x5: {  	_ = 	snop  }
0x6: {  	_ = 	snop  }
0x7: {  	_ = 	snop  }
__scs_overlays_trampoline_lowered:
0x8: {  	[smem:$0x3FAB] =	sst s0  }
0x9: {  	[smem:$0x3FAC] =	sst s1  }
0xa: {  	[smem:$0x3FAD] =	sst s2  }
0xb: {  	[smem:$0x3FAE] =	sst s3  }
0xc: {  	[smem:$0x3FAF] =	sst s4  }
0xd: {  	[smem:$0x3FB0] =	sst s5  }
0xe: {  	[smem:$0x3FB1] =	sst s6  }
0xf: {  	[smem:$0x3FB2] =	sst s7  }
0x10: {  	[smem:$0x3FB3] =	sst s8  }
0x11: {  	[smem:$0x3FB4] =	sst s9;
	s0 =	simm.s32 @!p0 $0x0  }
0x12: {  	s1 =	sld [smem:$0x3F9A];
	s0 =	simm.s32 @p0 $0x1  }
0x13: {  	[smem:$0x3FB5] =	sst s0;
	s0 =	simm.s32 @!p1 $0x0  }
0x14: {  	s2 =	sld [smem:$0x3F99];
	s0 =	simm.s32 @p1 $0x1  }
0x15: {  	[smem:$0x3FB6] =	sst s0;
	s0 =	simm.s32 @!p2 $0x0  }
0x16: {  	s3 =	sld [smem:$0x3FDB];
	s0 =	simm.s32 @p2 $0x1  }
0x17: {  	s4 =	simm.s32 $0x1BF5;
	[smem:$0x3FB8] =	sst s0  }
0x18: {  	s0 =	sld [smem:$0x3F9B];
	_ =	swait.ge [sflag:s4], $0x0  }
0x19: {  	s7 =	sld [smem:$0x3F9C]  }
0x1a: {  	s8 =	sadd.s32 $0xFFFFE003, lr  }
0x1b: {  	s9 =	sadd.s32 $0xFFFFFEF7, lr;
	s5 =	simm.s32 $0xFFFFFFFF;
	p2 =	slt.u32 s8, $0xFFFFF086  }
0x1c: {  	p1 =	slt.u32 s9, $0xF7A;
	s5 =	simm.s32 @!p2 $0x0  }
0x1d: {  	s5 =	simm.s32 @p1 $0x1;
	p0 =	seq.s32 s7, s2  }
0x1e: {  	s7 =	smul.u32 @!p0 $0xF7A, s2;
	p2 =	seq.s32 @!p0 s5, $0x0  }
0x1f: {  	s9 =	smul.u32 $0xF7A, s1;
	s8 =	simm.s32 @!p0 $0x1BF5;
	p2 =	por !p2, p0  }
0x20: {  	[sflag:s8] =	ssyncset.s32 @!p0 $0xFFFFF086;
	s6 =	sadd.s32 @!p0 s3, s7;
	s7 =	simm.s32 @!p0 $0x108  }
0x21: {  	s3 =	sadd.s32 s3, s9;
	s6 =	sadd.s32 @!p0 $0x88, s6;
	s7 =	simm.s32 @p2 $0x1082  }
0x22: {  	[simem:s7], [sflag:s8] =	dma.local @!p0 [hbm:s6], $0xF7A  }
0x23: {  	s9 =	sor.u32 $0xD0000000, s2;
	s6 =	simm.s32 $0x108;
	_ =	swait.ge @!p0 [sflag:s8], $0x0  }
0x24: {  	s3 =	sadd.s32 $0x88, s3;
	s6 =	simm.s32 @!p1 $0x1082;
	[sflag:s4] =	ssyncset.s32 $0xFFFFF086  }
0x25: {  	[simem:s6], [sflag:s4] =	dma.local [hbm:s3], $0xF7A  }
0x26: {  	[smem:$0x3F9C] =	sst s1;
	(tag) =	ssettag s2;
	_ =	strace s9  }
0x27: {  	s1 =	sld [smem:$0x3FAC]  }
0x28: {  	s2 =	sld [smem:$0x3FAD]  }
0x29: {  	s4 =	sld [smem:$0x3FAF]  }
0x2a: {  	p0 =	seq.s32 s5, $0x0;
	s5 =	sld [smem:$0x3FB0]  }
0x2b: {  	s6 =	sld [smem:$0x3FB1]  }
0x2c: {  	s7 =	sld [smem:$0x3FB2]  }
0x2d: {  	s3 =	simm.s32 $0x108;
	s8 =	sld [smem:$0x3FB3]  }
0x2e: {  	s3 =	simm.s32 @!p0 $0x1082;
	s9 =	sld [smem:$0x3FB4]  }
0x2f: {  	lr =	sadd.s32 s0, s3;
	s0 =	sld [smem:$0x3FAB]  }
0x30: {  	s3 =	sld [smem:$0x3FAE]  }
0x31: {  	[smem:$0x3FB7] =	sst s10  }
0x32: {  	s10 =	sld [smem:$0x3FB5];
	_ =	sdelay $0x3  }
0x33: {  	p0 =	seq.s32 s10, $0x1;
	s10 =	sld [smem:$0x3FB7];
	_ =	sdelay $0x3  }
0x34: {  	[smem:$0x3FB7] =	sst s10  }
0x35: {  	s10 =	sld [smem:$0x3FB6];
	_ =	sdelay $0x3  }
0x36: {  	p1 =	seq.s32 s10, $0x1;
	s10 =	sld [smem:$0x3FB7];
	_ =	sdelay $0x3  }
0x37: {  	[smem:$0x3FB7] =	sst s10  }
0x38: {  	s10 =	sld [smem:$0x3FB8]  }
0x39: {  	_ = 	snop;
	(pc) =	sbr.ind lr, $3  }
0x3a: {  	_ = 	snop  }
0x3b: {  	_ = 	snop  }
0x3c: {  	p2 =	seq.s32 s10, $0x1;
	s10 =	sld [smem:$0x3FB7]  }
0x3d: {  	_ =	shalt  }
0x3e: {  	_ =	shalt  }
0x3f: {  	_ =	shalt  }
0x40: {  	_ =	shalt  }
0x41: {  	_ =	shalt  }
0x42: {  	_ =	shalt  }
0x43: {  	_ =	shalt  }
0x44: {  	_ =	shalt  }
0x45: {  	_ =	shalt  }
0x46: {  	_ =	shalt  }
0x47: {  	_ =	shalt  }
0x48: {  	_ =	shalt  }
0x49: {  	_ =	shalt  }
0x4a: {  	_ =	shalt  }
0x4b: {  	_ =	shalt  }
0x4c: {  	_ =	shalt  }
0x4d: {  	_ =	shalt  }
0x4e: {  	_ =	shalt  }
0x4f: {  	_ =	shalt  }
0x50: {  	_ =	shalt  }
0x51: {  	_ =	shalt  }
0x52: {  	_ =	shalt  }
0x53: {  	_ =	shalt  }
0x54: {  	_ =	shalt  }
0x55: {  	_ =	shalt  }
0x56: {  	_ =	shalt  }
0x57: {  	_ =	shalt  }
0x58: {  	_ =	shalt  }
0x59: {  	_ =	shalt  }
0x5a: {  	_ =	shalt  }
0x5b: {  	_ =	shalt  }
0x5c: {  	_ =	shalt  }
0x5d: {  	_ =	shalt  }
0x5e: {  	_ =	shalt  }
0x5f: {  	_ =	shalt  }
0x60: {  	_ =	shalt  }
0x61: {  	_ =	shalt  }
0x62: {  	_ =	shalt  }
0x63: {  	_ =	shalt  }
0x64: {  	_ =	shalt  }
0x65: {  	_ =	shalt  }
0x66: {  	_ =	shalt  }
0x67: {  	_ =	shalt  }
0x68: {  	_ =	shalt  }
0x69: {  	_ =	shalt  }
0x6a: {  	_ =	shalt  }
0x6b: {  	_ =	shalt  }
0x6c: {  	_ =	shalt  }
0x6d: {  	_ =	shalt  }
0x6e: {  	_ =	shalt  }
0x6f: {  	_ =	shalt  }
0x70: {  	_ =	shalt  }
0x71: {  	_ =	shalt  }
0x72: {  	_ =	shalt  }
0x73: {  	_ =	shalt  }
0x74: {  	_ =	shalt  }
0x75: {  	_ =	shalt  }
0x76: {  	_ =	shalt  }
0x77: {  	_ =	shalt  }
0x78: {  	_ =	shalt  }
0x79: {  	_ =	shalt  }
0x7a: {  	_ =	shalt  }
0x7b: {  	_ =	shalt  }
0x7c: {  	_ =	shalt  }
0x7d: {  	_ =	shalt  }
0x7e: {  	_ =	shalt  }
0x7f: {  	_ =	shalt  }
0x80: {  	_ =	shalt  }
0x81: {  	_ =	shalt  }
0x82: {  	_ =	shalt  }
0x83: {  	_ =	shalt  }
0x84: {  	_ =	shalt  }
0x85: {  	_ =	shalt  }
0x86: {  	_ =	shalt  }
0x87: {  	_ =	shalt  }
.Lfunc_end0:
.L_simem_size_0:
called_computation_lowered:
.L_overlay_start_0:
0x88: {  	s2 =	sld [smem:$0x3FD9]  }
0x89: {  	s3 =	sld [smem:$0x3FFE];
	_ =	sdelay $0x1  }
0x8a: {  	s1 =	srdreg.scid  }
0x8b: {  	s0 =	sand.u32 $0x1, s1  }
0x8c: {  	s17 =	sshll.u32 s0, $0xA;
	s2 =	sadd.s32 s3, s2  }
0x8d: {  	s2 =	sadd.s32 s2, s17  }
0x8e: {  	[smem:$0x3FC3] =	sst s2  }
0x8f: {  	_ = 	snop  }
0x90: {  	s2 =	sld [smem:$0x3FD0];
	(tm) =	ssettm $0x1  }
0x91: {  	s18 =	sld [smem:$0x3FFB];
	_ =	sdelay $0x3  }
0x92: {  	_ =	strace s18  }
0x93: {  	s3 =	sld [smem:$0x3FFC];
	_ =	sdelay $0x3  }
0x94: {  	_ =	strace s3  }
0x95: {  	s3 =	sld [smem:$0x3FFD];
	_ =	sdelay $0x3  }
0x96: {  	_ =	strace s3  }
0x97: {  	_ =	strace $0x8FFFFFFF  }
0x98: {  	s19 =	sld [smem:$0x3FDB];
	_ =	sdelay $0x1  }
0x99: {  	s4 =	simm.s32 $_scs_section_size  }
0x9a: {  	s5 =	simm.s32 $_size__tile_overlayer_lowered;
	s6 =	simm.s32 $_tile_overlayer_lowered  }
0x9b: {  	s22 =	simm.s32 $0x1BFF;
	s21 =	sshll.u32 s6, $0x1;
	s3 =	sadd.s32 s4, s19  }
0x9c: {  	s7 =	simm.s32 $0x0;
	s20 =	sshll.u32 s5, $0x1;
	s5 =	sadd.s32 s21, s3  }
0x9d: {  	[timem:s7], [sflag:s22] =	dma.local [hbm:s5], s20  }
0x9e: {  	_ =	swait.ge [sflag:s22], s20  }
0x9f: {  	s4 =	ssub.s32 $0x0, s20;
	[sflag:s22] =	ssyncset.done $0x0  }
0xa0: {  	[sflag:s22] =	ssyncadd.s32 s4;
	_ =	sdelay $0x1  }
0xa1: {  	s23 =	simm.s32 $0x1B8B  }
0xa2: {  	_ =	swait.ge [sflag:s23], $0x1  }
0xa3: {  	[sflag:s23] =	ssyncset.done $0x0  }
0xa4: {  	s25 =	simm.s32 $0x1B8E;
	s24 =	sld [smem:$0x3FFE];
	[sflag:s23] =	ssyncadd.s32 $0xFFFFFFFF  }
0xa5: {  	s26 =	simm.s32 $execute0_lowered;
	[smem:$0x3FD2] =	sst s25  }
0xa6: {  	s5 =	sshll.u32 s26, $0x1;
	_ =	strace $0x80000046;
	[dreg:$0x1] =	wrdreg $0xFFFFFFFF  }
0xa7: {  	s28 =	simm.s32 $_size_execute0_lowered;
	s3 =	sadd.s32 s3, s5;
	[dreg:$0x0] =	wrdreg $0x0  }
0xa8: {  	s5 =	sshll.u32 s28, $0x1;
	[dreg:$0x2] =	wrdreg s3  }
0xa9: {  	[dreg:$0x3] =	wrdreg s5  }
0xaa: {  	[dreg:$0x4] =	wrdreg $0xC0  }
0xab: {  	_ =	task [dreg:s7], $0x5FFFF  }
0xac: {  	[dreg:$0x1] =	wrdreg $0xFFFFFFFF  }
0xad: {  	[dreg:$0x0] =	wrdreg $0x60  }
0xae: {  	[dreg:$0x2] =	wrdreg s2  }
0xaf: {  	[dreg:$0x3] =	wrdreg s24  }
0xb0: {  	[dreg:$0x4] =	wrdreg $0x9  }
0xb1: {  	_ =	task.clear_ibuf [dreg:s7], $0x5FFFF;
	_ =	strace $0x90000046  }
0xb2: {  	s29 =	simm.s32 $0x9;
	_ =	strace $0x80000048  }
0xb3: {  	_ =	swait.ge [sflag:s29], $0x1  }
0xb4: {  	[sflag:s29] =	ssyncadd.s32 $0xFFFFFFFF  }
0xb5: {  	_ =	strace $0x90000048  }
0xb6: {  	_ =	sfence  }
0xb7: {  	s30 =	sld [smem:$0x0];
	_ =	sdelay $0x2  }
0xb8: {  	s31 =	sshll.u32 s1, $0xD;
	s1 =	sshrl.u32 s1, $0x2  }
0xb9: {  	s3 =	sand.u32 $0x4000, s31;
	s1 =	sadd.s32 s1, s30  }
0xba: {  	s0 =	sor.u32 s3, s0;
	s1 =	sshll.u32 s1, $0x11  }
0xbb: {  	s0 =	sor.u32 s1, s0  }
0xbc: {  	s0 =	sadd.s32 $0x8F2B, s0  }
0xbd: {  	[sflag:s0] =	ssyncadd.remote.s32 $0x1  }
0xbe: {  	_ =	sfence.sel $0xFFFF  }
0xbf: {  	[dreg:$0x0] =	wrdreg $0xFFFFFFFF;
	(pc) =	sbr.abs _section_cstart, $3  }
0xc0: {  	[dreg:$0x1] =	wrdreg $0xFFFFFFFF  }
0xc1: {  	_ =	task.clear_ibuf [dreg:s7], $0x2FFFF;
	_ =	strace $0x9FFFFFFF  }
0xc2: {  	(tm) =	ssettm $0x7FFFFFFF  }
0xc3: {  	_ =	shalt  }
tec
execute0_lowered:
.L_overlay_start_1:
0x0: {  	(tag) =	ssettag $0x1  }
0x1: {  	s5 =	rddreg [dreg:$0x0]  }
0x2: {  	s6 =	rddreg [dreg:$0x1]  }
0x3: {  	s0 =	rddreg [dreg:$0x2]  }
0x4: {  	s3 =	srdreg.scid;
	s1 =	stileid.u32  }
0x5: {  	s2 =	simm.s32 $0x0;
	s11 =	simm.s32 $0x1200;
	s12 =	simm.s32 $0x0  }
0x6: {  	s4 =	sand.u32 $0x1, s3;
	s31 =	sshll.u32 s1, $0x1;
	[smem:$0x7FF] =	sst s2  }
0x7: {  	s3 =	sor.u32 s4, s31;
	s7 =	ssub.s32 $0x2, s4;
	_ =	strace $0x80000047  }
0x8: {  	s4 =	sadd.s32 $0x80000, s6;
	s8 =	sshll.u32 s3, $0x5;
	s9 =	sshrl.u32 s7, $0x1  }
0x9: {  	p0 =	seq.s32 s3, $0x0;
	s10 =	sadd.s32 s8, s6;
	s9 =	ssub.s32 s7, s9  }
0xa: {  	s5 =	sadd.s32 s5, s8;
	s6 =	sadd.s32 $0x80200, s10;
	s7 =	sadd.s32 $0x80600, s10  }
0xb: {  	v0 =	vimm.s32 $0x0;
	s8 =	smax.u32 s9, $0x1;
	s9 =	simm.s32 $0x1;
	s10 =	simm.s32 $0x100  }
.LBB2_1:
0xc: {  	[tilespmem:s2], [sflag:$0x1] =	stream.linear.gather [hbm4b:s5+s2], $0x100, $0x38;
	[tilespmem:$0x1300] =	vst v63  }
0xd: {  	_ =	swait.ge [sflag:s9], $0x100  }
0xe: {  	[sflag:s9] =	ssyncset.done $0x0  }
0xf: {  	[sflag:s9] =	ssyncadd.s32 $0xFFFFFF00  }
0x10: {  	[tilespmem:s10], [sflag:$0x1] =	stream.linear.gather [hbm4b:s6+s2], $0x100, $0x38;
	[tilespmem:$0x1300] =	vst v63  }
0x11: {  	_ =	swait.ge [sflag:s9], $0x100  }
0x12: {  	[sflag:s9] =	ssyncset.done $0x0  }
.Ltmp0:
0x13: {  	s13 =	simm.s32 $0x200;
	[sflag:s9] =	ssyncadd.s32 $0xFFFFFF00;
	(pc) =	sbr.rel @p0 .LBB2_5-.Ltmp0, $4  }
0x14: {  	[tilespmem:s13], [sflag:$0x1] =	stream.linear.gather [hbm4b:s4+s2], $0x1000, $0x38;
	[tilespmem:$0x1300] =	vst v63  }
0x15: {  	_ =	swait.ge [sflag:s9], $0x1000  }
0x16: {  	[sflag:s9] =	ssyncset.done $0x0  }
0x17: {  	v1 =	vimm.s32 $0x0;
	[sflag:s9] =	ssyncadd.s32 $0xFFFFF000  }
0x18: {  	p1 =	sne.s32 s3, $0x1  }
.Ltmp1:
0x19: {  	_ = 	snop;
	(pc) =	sbr.rel @!p1 .LBB2_4-.Ltmp1, $2  }
0x1a: {  	_ =	sdelay $0x2  }
0x1b: {  	s14 =	sadd.s32 $0xFFFFFFFF, s3;
	v2 =	vld [tilespmem:s13+$0x0];
	v1 =	vimm.s32 $0x0  }
.LBB2_3:
0x1c: {  	p1 =	sne.s32 s14, $0x1  }
.Ltmp2:
0x1d: {  	_ = 	snop;
	(pc) =	sbr.rel @p1 .LBB2_3-.Ltmp2, $3  }
0x1e: {  	_ =	sdelay $0x1  }
0x1f: {  	s14 =	sadd.s32 $0xFFFFFFFF, s14;
	s13 =	sadd.s32 $0x80, s13;
	v1 =	vadd.s32 v1, v2  }
0x20: {  	v2 =	vld [tilespmem:s13+$0x0]  }
.LBB2_4:
0x21: {  	_ =	sdelay $0x3  }
0x22: {  	v1 =	vadd.s32 v1, v2  }
.LBB2_5:
0x23: {  	(v2sf) =	vpush v1, $0x0  }
0x24: {  	(v2sf) =	vpush v1, $0x1  }
0x25: {  	(v2sf) =	vpush v1, $0x2  }
0x26: {  	(v2sf) =	vpush v1, $0x3  }
0x27: {  	(v2sf) =	vpush v1, $0x4  }
0x28: {  	(v2sf) =	vpush v1, $0x5  }
0x29: {  	(v2sf) =	vpush v1, $0x6;
	_ =	sdelay $0x1  }
0x2a: {  	(v2sf) =	vpush v1, $0x7  }
0x2b: {  	s13 =	simm.s32 $0x0  }
0x2c: {  	v1 =	vld [tilespmem:s13+$0x0];
	_ =	sdelay $0x4  }
0x2d: {  	vm6 =	veq.s32 v1, $0x7;
	s22 =	spop (v2sf)  }
0x2e: {  	vm7 =	veq.s32 v1, $0x6;
	v3 =	vsel vm6, $0x1, v0;
	s18 =	spop (v2sf)  }
0x2f: {  	vm5 =	veq.s32 v1, $0x5;
	vm3 =	veq.s32 v1, $0x4;
	v4 =	vsel vm7, $0x1, v0;
	(xrf0) =	vadd.scan.msk.s32 $0xffff, v3;
	s16 =	spop (v2sf)  }
0x30: {  	vm4 =	veq.s32 v1, $0x3;
	vm0 =	veq.s32 v1, $0x1;
	v3 =	vsel vm5, $0x1, v0;
	(xrf0) =	vadd.scan.msk.s32 $0xffff, v4;
	s17 =	spop (v2sf)  }
0x31: {  	vm2 =	veq.s32 v1, $0x2;
	vm1 =	veq.s32 v1, $0x0;
	v5 =	vsel vm3, $0x1, v0;
	(xrf0) =	vadd.scan.msk.s32 $0xffff, v3;
	s20 =	spop (v2sf)  }
0x32: {  	v1 =	vsel vm0, $0x1, v0;
	v6 =	vsel vm2, $0x1, v0;
	v4 =	vsel vm4, $0x1, v0;
	(xrf0) =	vadd.scan.msk.s32 $0xffff, v5;
	s21 =	spop (v2sf)  }
0x33: {  	v3 =	vsel vm1, $0x1, v0;
	v9 =	vmov s18;
	(xrf0) =	vadd.scan.msk.s32 $0xffff, v4;
	v4 =	vmov s20;
	s19 =	spop (v2sf)  }
0x34: {  	(xrf0) =	vadd.scan.msk.s32 $0xffff, v6;
	v6 =	vmov s17;
	v4 =	vadd.s32 $0xFFFFFFFF, v4;
	v7 =	vmov s19  }
0x35: {  	v8, _, _ =	vpop (xrf0);
	v6 =	vadd.s32 $0xFFFFFFFF, v6;
	v5 =	vmov s21;
	s15 =	spop (v2sf);
	v7 =	vadd.s32 $0xFFFFFFFF, v7  }
0x36: {  	(v2sf) =	vpush v8, $0xF;
	v2 =	vmov s15;
	v7 =	vbroadcast v7, $0x0  }
0x37: {  	(xrf0) =	vadd.scan.msk.s32 $0xffff, v1;
	v6 =	vbroadcast v6, $0x0;
	v1 =	vbroadcast v4, $0x0;
	v2 =	vadd.s32 $0xFFFFFFFF, v2;
	v4, _, _ =	vpop (xrf0)  }
0x38: {  	v5 =	vadd.s32 $0xFFFFFFFF, v5;
	v2 =	vbroadcast v2, $0x0;
	v7 =	vadd.s32 v4, v7  }
0x39: {  	v5 =	vbroadcast v5, $0x0;
	(v2sf) =	vpush v4, $0xF;
	v4 =	vmov s16  }
0x3a: {  	v2 =	vadd.s32 v8, v2;
	v8, _, _ =	vpop (xrf0);
	vm8 =	vlt.s32 v7, $0x64;
	v4 =	vadd.s32 $0xFFFFFFFF, v4  }
0x3b: {  	(v2sf) =	vpush v8, $0xF;
	v5 =	vadd.s32 v8, v5;
	vm9 =	vlt.s32 v2, $0x64;
	v7, _, _ =	vpop (xrf0)  }
0x3c: {  	vm7 =	vmand vm7, vm8;
	vm15 =	vlt.s32 v5, $0x64;
	(v2sf) =	vpush v7, $0xF  }
0x3d: {  	vm6 =	vmand vm6, vm9;
	v5 =	vadd.s32 $0xFFFFFFFF, v9;
	v2, _, _ =	vpop (xrf0);
	v1 =	vadd.s32 v7, v1  }
0x3e: {  	vm6 =	vmor vm6, vm7;
	vm5 =	vmand vm5, vm15;
	(v2sf) =	vpush v2, $0xF  }
0x3f: {  	v8, _, _ =	vpop (xrf0);
	v2 =	vadd.s32 v2, v6;
	vm7 =	vlt.s32 v1, $0x64;
	vm5 =	vmor vm6, vm5  }
0x40: {  	s14 =	simm.s32 $0x10;
	v10, _, _ =	vpop (xrf0);
	(v2sf) =	vpush v8, $0xF;
	(xrf0) =	vadd.scan.msk.s32 $0xffff, v3;
	v3 =	vbroadcast v4, $0x0;
	v4 =	vmov s22  }
0x41: {  	vm6 =	vlt.s32 v2, $0x64;
	v1 =	vadd.s32 $0xFFFFFFFF, v4;
	v4 =	vbroadcast v5, $0x0;
	v5 =	vld [tilespmem:s14+$0x0]  }
0x42: {  	vm3 =	vmand vm3, vm7;
	vm4 =	vmand vm4, vm6;
	v3 =	vadd.s32 v8, v3  }
0x43: {  	vm3 =	vmor vm5, vm3;
	v4 =	vadd.s32 v10, v4;
	vm5 =	vlt.s32 v3, $0x64  }
0x44: {  	vm3 =	vmor vm3, vm4;
	vm4 =	vlt.s32 v4, $0x64;
	vm2 =	vmand vm2, vm5  }
0x45: {  	(v2sf) =	vpush v10, $0xF;
	vm0 =	vmand vm0, vm4;
	vm2 =	vmor vm3, vm2  }
0x46: {  	v1 =	vbroadcast v1, $0x0;
	vm0 =	vmor vm2, vm0;
	vm6 =	veq.s32 v5, $0x5  }
0x47: {  	v2, _, _ =	vpop (xrf0);
	vm12 =	veq.s32 v5, $0x6;
	vm7 =	veq.s32 v5, $0x7;
	vm4 =	veq.s32 v5, $0x3  }
0x48: {  	s23 =	spop (v2sf);
	vm3 =	veq.s32 v5, $0x2;
	v1 =	vadd.s32 v2, v1;
	v3 =	vsel vm7, $0x1, v0  }
0x49: {  	(v2sf) =	vpush v2, $0xF;
	v2 =	vsel vm12, $0x1, v0;
	vm5 =	vlt.s32 v1, $0x64;
	(xrf0) =	vadd.scan.msk.s32 $0xffff, v3;
	s24 =	spop (v2sf)  }
0x4a: {  	s15 =	sadd.s32 s15, s23;
	v6 =	vsel vm6, $0x1, v0;
	vm1 =	vmand vm1, vm5;
	vm5 =	veq.s32 v5, $0x4;
	(xrf0) =	vadd.scan.msk.s32 $0xffff, v2;
	s25 =	spop (v2sf)  }
0x4b: {  	vm2 =	veq.s32 v5, $0x0;
	v1 =	vmov s15;
	v4 =	vsel vm5, $0x1, v0;
	(xrf0) =	vadd.scan.msk.s32 $0xffff, v6;
	s26 =	spop (v2sf)  }
0x4c: {  	v3 =	vsel vm4, $0x1, v0;
	vm0 =	vmor vm0, vm1;
	vm1 =	veq.s32 v5, $0x1;
	(xrf0) =	vadd.scan.msk.s32 $0xffff, v4;
	s20 =	sadd.s32 s20, s26  }
0x4d: {  	s19 =	sadd.s32 s19, s24;
	v1 =	vadd.s32 $0xFFFFFFFF, v1;
	v2 =	vsel vm1, $0x1, v0;
	(xrf0) =	vadd.scan.msk.s32 $0xffff, v3;
	v3 =	vmov s20  }
0x4e: {  	v5 =	vsel vm3, $0x1, v0;
	v7 =	vmov s19;
	v3 =	vadd.s32 $0xFFFFFFFF, v3  }
0x4f: {  	v1 =	vbroadcast v1, $0x0;
	v7 =	vadd.s32 $0xFFFFFFFF, v7;
	s21 =	sadd.s32 s21, s25;
	(xrf0) =	vadd.scan.msk.s32 $0xffff, v5;
	s28 =	spop (v2sf)  }
0x50: {  	v6 =	vsel vm2, $0x1, v0;
	v7 =	vbroadcast v7, $0x0;
	v4 =	vmov s21;
	(xrf0) =	vadd.scan.msk.s32 $0xffff, v2;
	v2, _, _ =	vpop (xrf0);
	s17 =	sadd.s32 s17, s28  }
0x51: {  	v1 =	vadd.s32 v2, v1;
	v5 =	vmov s17;
	v8 =	vbroadcast v3, $0x0;
	v3, _, _ =	vpop (xrf0)  }
0x52: {  	s29 =	spop (v2sf);
	(v2sf) =	vpush v2, $0xF;
	v2 =	vadd.s32 $0xFFFFFFFF, v5;
	v5 =	vadd.s32 v3, v7  }
0x53: {  	v4 =	vadd.s32 $0xFFFFFFFF, v4;
	(xrf0) =	vadd.scan.msk.s32 $0xffff, v6  }
0x54: {  	v4 =	vbroadcast v4, $0x0;
	s16 =	sadd.s32 s16, s29;
	v6, _, _ =	vpop (xrf0);
	(v2sf) =	vpush v3, $0xF  }
0x55: {  	v3 =	vmov s16;
	vm13 =	vlt.s32 v5, $0x64;
	(v2sf) =	vpush v6, $0xF;
	v5, _, _ =	vpop (xrf0)  }
0x56: {  	s30 =	spop (v2sf);
	vm10 =	vlt.s32 v1, $0x64;
	v4 =	vadd.s32 v6, v4;
	v1, _, _ =	vpop (xrf0);
	(v2sf) =	vpush v5, $0xF  }
0x57: {  	s18 =	sadd.s32 s18, s30;
	vm7 =	vmand vm7, vm10;
	v2 =	vbroadcast v2, $0x0;
	v7, _, _ =	vpop (xrf0);
	(v2sf) =	vpush v1, $0xF  }
0x58: {  	v63 =	vmov s18;
	v6 =	vadd.s32 $0xFFFFFFFF, v3;
	v3, _, _ =	vpop (xrf0);
	(v2sf) =	vpush v7, $0xF  }
0x59: {  	v9 =	vadd.s32 $0xFFFFFFFF, v63;
	vm14 =	vlt.s32 v4, $0x64;
	v4, _, _ =	vpop (xrf0);
	(v2sf) =	vpush v3, $0xF  }
0x5a: {  	vm8 =	vmand vm12, vm13;
	s31 =	spop (v2sf);
	v6 =	vbroadcast v6, $0x0;
	(v2sf) =	vpush v4, $0xF  }
0x5b: {  	s22 =	sadd.s32 s22, s31;
	vm7 =	vmor vm7, vm8;
	vm6 =	vmand vm6, vm14;
	v5 =	vadd.s32 v5, v8  }
0x5c: {  	v8 =	vmov s22;
	vm6 =	vmor vm7, vm6;
	v1 =	vadd.s32 v1, v2  }
0x5d: {  	vm15 =	vlt.s32 v5, $0x64;
	v8 =	vadd.s32 $0xFFFFFFFF, v8;
	v5 =	vbroadcast v9, $0x0;
	v2 =	vld [tilespmem:s13+$0x100]  }
0x5e: {  	v6 =	vadd.s32 v7, v6;
	vm7 =	vlt.s32 v1, $0x64;
	vm5 =	vmand vm5, vm15;
	v1 =	vld [tilespmem:s14+$0x100]  }
0x5f: {  	s23 =	simm.s32 $0x20;
	s24 =	simm.s32 $0xC0;
	v7 =	vbroadcast v8, $0x0;
	vm4 =	vmand vm4, vm7;
	vm5 =	vmor vm6, vm5  }
.LBB2_6:
0x60: {  	p1 =	sne.s32 s24, $0x3C0;
	v8 =	vld [tilespmem:s23+$0x0];
	v3 =	vadd.s32 v3, v5;
	vm6 =	vlt.s32 v6, $0x64;
	vm4 =	vmor vm5, vm4  }
0x61: {  	v5 =	vld [tilespmem:s23+$0x100];
	v4 =	vadd.s32 v4, v7;
	vm5 =	vlt.s32 v3, $0x64;
	vm3 =	vmand vm3, vm6  }
0x62: {  	vm6 =	vlt.s32 v4, $0x64;
	vm1 =	vmand vm1, vm5;
	vm3 =	vmor vm4, vm3;
	s25 =	spop (v2sf)  }
0x63: {  	v3 =	vnsel vm0, $0x0, v2;
	v2 =	vmovc v1;
	vm2 =	vmand vm2, vm6;
	vm1 =	vmor vm3, vm1;
	s15 =	sadd.s32 s15, s25;
	s25 =	spop (v2sf)  }
0x64: {  	v4 =	vmov s15;
	s19 =	sadd.s32 s19, s25;
	vm0 =	vmor vm1, vm2;
	s25 =	spop (v2sf);
	[tilespmem:s13+$0x1200] =	vst v3;
	s13 =	smov.u32 s14  }
0x65: {  	s14 =	smov.u32 s23;
	vm5 =	veq.s32 v8, $0x5;
	vm8 =	veq.s32 v8, $0x6;
	vm7 =	veq.s32 v8, $0x7;
	s21 =	sadd.s32 s21, s25;
	s25 =	spop (v2sf)  }
0x66: {  	vm4 =	veq.s32 v8, $0x4;
	v3 =	vsel vm8, $0x1, v0;
	v6 =	vsel vm7, $0x1, v0;
	s20 =	sadd.s32 s20, s25;
	s23 =	spop (v2sf);
	v1 =	vmovc v5  }
0x67: {  	vm6 =	veq.s32 v8, $0x3;
	v5 =	vsel vm4, $0x1, v0;
	v7 =	vsel vm5, $0x1, v0;
	(xrf0) =	vadd.scan.msk.s32 $0xffff, v6;
	s17 =	sadd.s32 s17, s23;
	s23 =	spop (v2sf)  }
0x68: {  	vm1 =	veq.s32 v8, $0x1;
	vm3 =	veq.s32 v8, $0x2;
	v6 =	vsel vm6, $0x1, v0;
	(xrf0) =	vadd.scan.msk.s32 $0xffff, v3;
	s16 =	sadd.s32 s16, s23;
	s23 =	spop (v2sf)  }
0x69: {  	vm2 =	veq.s32 v8, $0x0;
	v8 =	vsel vm3, $0x1, v0;
	v3 =	vsel vm1, $0x1, v0;
	(xrf0) =	vadd.scan.msk.s32 $0xffff, v7;
	s18 =	sadd.s32 s18, s23;
	s23 =	spop (v2sf)  }
0x6a: {  	v9 =	vmov s19;
	v4 =	vadd.s32 $0xFFFFFFFF, v4;
	v7 =	vsel vm2, $0x1, v0;
	(xrf0) =	vadd.scan.msk.s32 $0xffff, v5;
	s22 =	sadd.s32 s22, s23  }
0x6b: {  	v9 =	vadd.s32 $0xFFFFFFFF, v9;
	v4 =	vbroadcast v4, $0x0;
	v5 =	vmov s21;
	(xrf0) =	vadd.scan.msk.s32 $0xffff, v6  }
0x6c: {  	v10 =	vbroadcast v9, $0x0;
	v6 =	vmov s20;
	v5 =	vadd.s32 $0xFFFFFFFF, v5;
	(xrf0) =	vadd.scan.msk.s32 $0xffff, v8  }
0x6d: {  	v8 =	vmov s17;
	v6 =	vadd.s32 $0xFFFFFFFF, v6;
	v5 =	vbroadcast v5, $0x0;
	(xrf0) =	vadd.scan.msk.s32 $0xffff, v3;
	v3, _, _ =	vpop (xrf0)  }
0x6e: {  	v6 =	vbroadcast v6, $0x0;
	v4 =	vadd.s32 v3, v4;
	(xrf0) =	vadd.scan.msk.s32 $0xffff, v7;
	v7, _, _ =	vpop (xrf0);
	(v2sf) =	vpush v3, $0xF  }
0x6f: {  	v3 =	vadd.s32 $0xFFFFFFFF, v8;
	v10 =	vadd.s32 v7, v10;
	v9, _, _ =	vpop (xrf0);
	(v2sf) =	vpush v7, $0xF  }
0x70: {  	v7 =	vmov s16;
	vm9 =	vlt.s32 v10, $0x64;
	v8, _, _ =	vpop (xrf0);
	(v2sf) =	vpush v9, $0xF  }
0x71: {  	vm10 =	vlt.s32 v4, $0x64;
	v5 =	vadd.s32 v9, v5;
	v9, _, _ =	vpop (xrf0);
	(v2sf) =	vpush v8, $0xF  }
0x72: {  	v7 =	vadd.s32 $0xFFFFFFFF, v7;
	v10 =	vbroadcast v3, $0x0;
	v11, _, _ =	vpop (xrf0);
	(v2sf) =	vpush v9, $0xF  }
0x73: {  	v12 =	vmov s18;
	vm8 =	vmand vm8, vm9;
	v3, _, _ =	vpop (xrf0);
	(v2sf) =	vpush v11, $0xF  }
0x74: {  	vm7 =	vmand vm7, vm10;
	vm9 =	vlt.s32 v5, $0x64;
	v4, _, _ =	vpop (xrf0);
	(v2sf) =	vpush v3, $0xF  }
0x75: {  	v7 =	vbroadcast v7, $0x0;
	v5 =	vadd.s32 v8, v6;
	(v2sf) =	vpush v4, $0xF  }
.Ltmp3:
0x76: {  	v6 =	vmov s22;
	v8 =	vadd.s32 $0xFFFFFFFF, v12;
	vm7 =	vmor vm7, vm8;
	(pc) =	sbr.rel @p1 .LBB2_6-.Ltmp3, $4  }
0x77: {  	v9 =	vadd.s32 v9, v10;
	vm8 =	vlt.s32 v5, $0x64;
	vm5 =	vmand vm5, vm9  }
0x78: {  	v10 =	vadd.s32 $0xFFFFFFFF, v6;
	v5 =	vbroadcast v8, $0x0;
	vm5 =	vmor vm7, vm5  }
0x79: {  	v6 =	vadd.s32 v11, v7;
	vm7 =	vlt.s32 v9, $0x64;
	vm8 =	vmand vm4, vm8  }
0x7a: {  	s23 =	sshra.s32 s24, $0x2;
	s24 =	sadd.s32 $0x40, s24;
	v7 =	vbroadcast v10, $0x0;
	vm4 =	vmand vm6, vm7;
	vm5 =	vmor vm5, vm8  }
0x7b: {  	v8 =	vld [tilespmem:s23+$0x0]  }
0x7c: {  	v3 =	vadd.s32 v3, v5  }
0x7d: {  	vm6 =	vlt.s32 v6, $0x64;
	vm4 =	vmor vm5, vm4;
	v2 =	vnsel vm0, $0x0, v2  }
0x7e: {  	v4 =	vadd.s32 v4, v7;
	vm13 =	vlt.s32 v3, $0x64;
	vm3 =	vmand vm3, vm6  }
0x7f: {  	vm14 =	vlt.s32 v4, $0x64;
	vm7 =	vmand vm1, vm13;
	vm3 =	vmor vm4, vm3  }
0x80: {  	vm1 =	vmand vm2, vm14;
	vm2 =	vmor vm3, vm7;
	vm8 =	veq.s32 v8, $0x7  }
0x81: {  	s24 =	spop (v2sf);
	vm9 =	veq.s32 v8, $0x6;
	vm15 =	veq.s32 v8, $0x5;
	vm4 =	veq.s32 v8, $0x4  }
0x82: {  	s25 =	spop (v2sf);
	vm6 =	veq.s32 v8, $0x3;
	vm3 =	veq.s32 v8, $0x2;
	v3 =	vsel vm8, $0x1, v0  }
0x83: {  	s26 =	sadd.s32 s19, s25;
	s28 =	spop (v2sf);
	vm0 =	veq.s32 v8, $0x1;
	vm7 =	veq.s32 v8, $0x0;
	v41 =	vsel vm9, $0x1, v0;
	(xrf0) =	vadd.scan.msk.s32 $0xffff, v3  }
0x84: {  	s29 =	spop (v2sf);
	v46 =	vmov s26;
	v42 =	vsel vm4, $0x1, v0;
	v43 =	vsel vm3, $0x1, v0;
	(xrf0) =	vadd.scan.msk.s32 $0xffff, v41  }
0x85: {  	s19 =	sadd.s32 s21, s28;
	v44 =	vsel vm0, $0x1, v0;
	v45 =	vsel vm7, $0x1, v0;
	s30 =	sadd.s32 s20, s29;
	v3 =	vsel vm15, $0x1, v0  }
0x86: {  	v48 =	vmov s19;
	v6 =	vadd.s32 $0xFFFFFFFF, v46;
	s31 =	spop (v2sf);
	v50 =	vmov s30;
	(xrf0) =	vadd.scan.msk.s32 $0xffff, v3  }
0x87: {  	s15 =	sadd.s32 s15, s24;
	v7 =	vadd.s32 $0xFFFFFFFF, v48;
	v6 =	vbroadcast v6, $0x0;
	s19 =	spop (v2sf);
	v3 =	vsel vm6, $0x1, v0;
	(xrf0) =	vadd.scan.msk.s32 $0xffff, v42  }
0x88: {  	v7 =	vbroadcast v7, $0x0;
	v8 =	vadd.s32 $0xFFFFFFFF, v50;
	s20 =	spop (v2sf);
	(xrf0) =	vadd.scan.msk.s32 $0xffff, v3;
	v3 =	vmov s15;
	s15 =	sadd.s32 s17, s31  }
0x89: {  	v8 =	vbroadcast v8, $0x0;
	s21 =	spop (v2sf);
	v3 =	vadd.s32 $0xFFFFFFFF, v3;
	v11 =	vmov s15;
	s15 =	sadd.s32 s16, s19;
	v47, _, _ =	vpop (xrf0)  }
0x8a: {  	s16 =	sadd.s32 s18, s20;
	v3 =	vbroadcast v3, $0x0;
	v56 =	vmov s15;
	s15 =	sadd.s32 s22, s21;
	v49, _, _ =	vpop (xrf0);
	(v2sf) =	vpush v47, $0xF  }
0x8b: {  	v57 =	vmov s16;
	v59 =	vmov s15;
	(v2sf) =	vpush v49, $0xF  }
0x8c: {  	(xrf0) =	vadd.scan.msk.s32 $0xffff, v43;
	v9, _, _ =	vpop (xrf0);
	v3 =	vadd.s32 v47, v3;
	v4 =	vadd.s32 v49, v6;
	v60 =	vadd.s32 $0xFFFFFFFF, v59  }
0x8d: {  	(v2sf) =	vpush v9, $0xF;
	vm10 =	vlt.s32 v4, $0x64;
	v53 =	vadd.s32 v9, v7  }
0x8e: {  	(xrf0) =	vadd.scan.msk.s32 $0xffff, v44;
	v10, _, _ =	vpop (xrf0);
	vm12 =	vlt.s32 v3, $0x64;
	v3 =	vadd.s32 $0xFFFFFFFF, v11;
	v11 =	vadd.s32 $0xFFFFFFFF, v56  }
0x8f: {  	(v2sf) =	vpush v10, $0xF;
	vm9 =	vmand vm9, vm10;
	vm8 =	vmand vm8, vm12  }
0x90: {  	(xrf0) =	vadd.scan.msk.s32 $0xffff, v45;
	v51, _, _ =	vpop (xrf0);
	v3 =	vbroadcast v3, $0x0;
	v8 =	vadd.s32 v10, v8;
	vm13 =	vlt.s32 v53, $0x64  }
0x91: {  	v58 =	vbroadcast v11, $0x0;
	v10 =	vadd.s32 $0xFFFFFFFF, v57;
	(v2sf) =	vpush v51, $0xF  }
0x92: {  	v52, _, _ =	vpop (xrf0);
	vm8 =	vmor vm8, vm9;
	vm14 =	vlt.s32 v8, $0x64;
	vm5 =	vmand vm15, vm13  }
0x93: {  	v61 =	vbroadcast v10, $0x0;
	(v2sf) =	vpush v52, $0xF;
	v3 =	vadd.s32 v51, v3  }
0x94: {  	v54, _, _ =	vpop (xrf0);
	vm5 =	vmor vm8, vm5;
	v4 =	vadd.s32 v52, v58;
	vm4 =	vmand vm4, vm14  }
0x95: {  	(v2sf) =	vpush v54, $0xF;
	vm15 =	vlt.s32 v3, $0x64;
	v3 =	vbroadcast v60, $0x0  }
0x96: {  	v55, _, _ =	vpop (xrf0);
	vm4 =	vmor vm5, vm4;
	v63 =	vadd.s32 v54, v61;
	vm12 =	vlt.s32 v4, $0x64  }
0x97: {  	v62 =	vld [tilespmem:s23+$0x100];
	(v2sf) =	vpush v55, $0xF;
	vm6 =	vmand vm6, vm15;
	vm13 =	vlt.s32 v63, $0x64  }
0x98: {  	vm3 =	vmand vm3, vm12;
	vm4 =	vmor vm4, vm6;
	v3 =	vadd.s32 v55, v3  }
0x99: {  	vm0 =	vmand vm0, vm13;
	vm14 =	vlt.s32 v3, $0x64;
	vm3 =	vmor vm4, vm3  }
0x9a: {  	vm1 =	vmor vm2, vm1;
	vm15 =	vmand vm7, vm14;
	vm0 =	vmor vm3, vm0  }
0x9b: {  	[tilespmem:s13+$0x1200] =	vst v2;
	v1 =	vnsel vm1, $0x0, v1;
	vm0 =	vmor vm0, vm15  }
0x9c: {  	[tilespmem:s14+$0x1200] =	vst v1;
	v1 =	vnsel vm0, $0x0, v62  }
0x9d: {  	[tilespmem:s23+$0x1200] =	vst v1  }
0x9e: {  	[hbm4b:s7+s2] =	stream.linear.scatter [tilespmem:s11], [sflag:$0x1], $0x100, $0x38;
	[tilespmem:$0x1300] =	vst v63  }
0x9f: {  	s22 =	spop (v2sf)  }
0xa0: {  	s24 =	spop (v2sf)  }
0xa1: {  	s25 =	spop (v2sf)  }
0xa2: {  	s26 =	spop (v2sf)  }
0xa3: {  	s12 =	sadd.s32 $0x1, s12;
	s28 =	spop (v2sf)  }
0xa4: {  	p1 =	sne.s32 s12, s8;
	s29 =	spop (v2sf)  }
.Ltmp4:
0xa5: {  	s30 =	spop (v2sf);
	(pc) =	sbr.rel @p1 .LBB2_1-.Ltmp4, $4  }
0xa6: {  	s31 =	spop (v2sf)  }
0xa7: {  	_ =	swait.ge [sflag:s9], $0x100  }
0xa8: {  	[sflag:s9] =	ssyncset.done $0x0  }
0xa9: {  	[sflag:s9] =	ssyncadd.s32 $0xFFFFFF00  }
0xaa: {  	_ =	sfence.sel $0x180000  }
0xab: {  	[bflag:$0x0] =	sbarrier.arrive $0xFFFF  }
0xac: {  	p0 =	sne.s32 s1, $0x0;
	_ =	strace $0x90000047  }
0xad: {  	s0 =	sadd.s32 @!p0 $0x100000, s0;
	[bflag:$0x2] =	sbarrier.arrive $0xFFFF  }
0xae: {  	[sflag:s0] =	ssyncadd.tile.s32 @!p0 $0x1;
	_ =	shalt  }
.Lfunc_end2:
_tile_overlayer_lowered:
.L_overlay_start_2:
0xaf: {  	(tag) =	ssettag $0x2  }
0xb0: {  	s0 =	rddreg [dreg:$0x0];
	s2 =	stileid.u32  }
0xb1: {  	s1 =	rddreg [dreg:$0x1];
	p0 =	sne.s32 s2, $0x0  }
0xb2: {  	s3 =	rddreg [dreg:$0x2];
	[bflag:$0x3] =	sbarrier.arrive $0xFFFF;
	s2 =	simm.s32 @!p0 $0x1C01  }
0xb3: {  	[timem:s3], [sflag:s2] =	dma.local @!p0 [hbm:s0], s1  }
0xb4: {  	s0 =	simm.s32 @!p0 $0x1  }
0xb5: {  	_ =	swait.ge @!p0 [sflag:s0], s1  }
0xb6: {  	s1 =	ssub.s32 @!p0 $0x0, s1;
	[sflag:s0] =	ssyncset.done @!p0 $0x0  }
0xb7: {  	[sflag:s0] =	ssyncadd.s32 @!p0 s1  }
0xb8: {  	[bflag:$0x3] =	sbarrier.arrive $0xFFFF  }
0xb9: {  	_ =	shalt  }

</sc_bundles>
